<compile_context>
chip_gen: v7x
topology: tpu7x:2x2x1
jax: 0.10.2.dev20260603
libtpu: 0.0.44.dev20260713+nightly
codegen_flags: <defaults>
</compile_context>

<pallas_src>
import functools

import numpy as np
import jax
import jax.numpy as jnp
from jax import lax
from jax.experimental import pallas as pl
from jax.experimental.pallas import tpu as pltpu
from jax.experimental.pallas import tpu_sc as plsc

_N, _D, _K = 8192, 64, 512

_ci = np.array([
    4, 18, 55, 1, 13, 43, 1, 39, 6, 2, 40, 50, 25, 27, 12, 18, 11, 2, 3, 7,
    54, 11, 12, 3, 44, 17, 48, 27, 28, 55, 5, 36, 21, 46, 51, 20, 46, 50, 17,
    45, 7, 4, 23, 61, 57, 0, 60, 36, 35, 13, 20, 27, 18, 51, 56, 55, 11, 18,
    27, 57, 25, 6, 32, 8, 3, 57, 52, 32, 2, 57, 44, 5, 51, 45, 36, 60, 46,
    42, 49, 33, 23, 16, 53, 44, 49, 56, 24, 56, 40, 62, 31, 21, 62, 56, 19,
    25, 55, 31, 58, 33, 49, 28, 37, 36, 63, 12, 62, 34, 25, 25, 59, 63, 35,
    60, 1, 35, 5, 8, 30, 35, 3, 0, 2, 3, 34, 20, 14, 6, 17, 28, 23, 34, 34,
    29, 47, 38, 25, 42, 17, 1, 7, 12, 27, 28, 18, 38, 43, 3, 49, 33, 7, 50,
    43, 48, 32, 19, 46, 17, 11, 26, 46, 20, 22, 19, 14, 27, 15, 31, 24, 47,
    39, 52, 36, 33, 22, 15, 46, 8, 34, 51, 4, 37, 54, 7, 63, 6, 5, 56, 44,
    21, 45, 45, 52, 13, 23, 19, 0, 11, 54, 62, 41, 41, 49, 37, 31, 48, 2, 34,
    47, 33, 41, 15, 25, 52, 23, 51, 61, 50, 11, 57, 4, 12, 49, 43, 48, 45,
    32, 20, 28, 52, 61, 9, 31, 25, 54, 43, 40, 20, 55, 37, 53, 0, 32, 58, 17,
    57, 21, 24, 0, 42, 34, 33, 60, 39, 58, 16, 26, 13, 0, 47, 36, 59, 15, 59,
    0, 21, 62, 26, 10, 24, 23, 2, 56, 62, 7, 8, 1, 28, 58, 37, 45, 45, 51,
    32, 22, 3, 3, 49, 26, 53, 39, 11, 36, 49, 13, 27, 27, 16, 15, 23, 55, 14,
    62, 12, 2, 31, 7, 32, 27, 19, 43, 40, 60, 16, 40, 17, 36, 13, 15, 10, 17,
    7, 48, 61, 62, 62, 36, 8, 8, 11, 10, 36, 2, 44, 12, 44, 33, 63, 54, 11,
    52, 17, 57, 21, 14, 24, 51, 26, 30, 17, 39, 52, 46, 43, 20, 18, 60, 47,
    2, 60, 58, 44, 36, 30, 41, 44, 0, 6, 1, 46, 36, 59, 48, 37, 22, 44, 34,
    62, 55, 57, 0, 4, 33, 7, 8, 47, 56, 10, 11, 59, 59, 16, 29, 55, 35, 56,
    50, 8, 44, 28, 37, 34, 10, 17, 29, 22, 31, 34, 27, 13, 2, 46, 29, 48, 59,
    50, 17, 10, 6, 57, 32, 5, 27, 63, 5, 31, 55, 7, 53, 21, 52, 33, 44, 28,
    37, 50, 0, 23, 33, 22, 12, 55, 52, 49, 52, 53, 43, 31, 7, 32, 48, 30, 29,
    44, 31, 26, 27, 41, 48, 26, 3, 56, 43, 44, 55, 23, 58, 10, 60, 20, 18,
    36, 62, 11, 35, 6, 25, 60, 8, 0, 19, 24, 1, 16, 18, 54, 55, 56, 26, 60,
    10, 32, 20, 20, 36, 48, 17, 31, 62, 8, 12, 41, 18, 56, 11, 9, 18, 25, 53,
    40, 58, 62], dtype=np.int32)

_seen, _first_k, _vals = set(), [], []
for _k, _v in enumerate(_ci.tolist()):
    if _v not in _seen:
        _seen.add(_v)
        _first_k.append(_k)
        _vals.append(_v)
_M = len(_vals)

_EMB = np.zeros((_K, _M), np.float32)
for _m, _kk in enumerate(_first_k):
    _EMB[_kk, _m] = 1.0

_B = 2048
_NB = _N // _B


def _isnan(x):
    return x != x


def _assign_body(nodesT_ref, nodes_ref, out_ref, centers_ref):
    b = pl.program_id(0)

    @pl.when(b == 0)
    def _init():
        for m in range(_M):
            centers_ref[m, :] = nodes_ref[_vals[m], :]

    xT = nodesT_ref[...]

    acc = None
    for g in range(_D // 8):
        p = []
        for s in range(8):
            d = 8 * g + s
            diff = xT[d:d + 1, :] - centers_ref[:, d:d + 1]
            p.append(diff * diff)
        t0 = p[0] + p[4]
        t1 = p[1] + p[5]
        t2 = p[2] + p[6]
        t3 = p[3] + p[7]
        gsum = (t0 + t2) + (t1 + t3)
        acc = gsum if acc is None else acc + gsum

    dist = acc * jax.lax.rsqrt(acc)

    idx = jax.lax.broadcasted_iota(jnp.int32, (_M, _B), 0)
    vals, idxs = dist, idx
    rows = _M
    while rows > 1:
        h = rows // 2
        a_v, b_v = vals[0:h, :], vals[h:rows, :]
        a_i, b_i = idxs[0:h, :], idxs[h:rows, :]
        take_b = (b_v < a_v) | (_isnan(b_v) & ~_isnan(a_v))
        vals = jnp.where(take_b, b_v, a_v)
        idxs = jnp.where(take_b, b_i, a_i)
        rows = h
    best_m = idxs

    best_col = lax.transpose(best_m, (1, 0))
    out_ref[...] = jnp.broadcast_to(best_col, (_B, 16))[None]


def _tc_assign(nodes_t, nodes):
    return pl.pallas_call(
        _assign_body,
        grid=(_NB,),
        in_specs=[
            pl.BlockSpec((_D, _B), lambda b: (0, b)),
            pl.BlockSpec((_B, _D), lambda b: (b, 0)),
        ],
        out_specs=pl.BlockSpec((1, _B, 16), lambda b: (b, 0, 0)),
        out_shape=jax.ShapeDtypeStruct((_NB, _B, 16), jnp.int32),
        scratch_shapes=[
            pltpu.VMEM((_M, _D), jnp.float32),
        ],
    )(nodes_t, nodes)



_NW = 32
_CH = _N // _NW


def _sc_scatter_body(nodes_hbm, assign_hbm, out_hbm, idx_v, rows_v, acc_v,
                     sem_a, sem_b):
    cid = lax.axis_index("c")
    sid = lax.axis_index("s")
    wid = sid * 2 + cid
    base = wid * _CH

    cp_a = pltpu.make_async_copy(assign_hbm.at[pl.ds(base, _CH)], idx_v, sem_a)
    cp_b = pltpu.make_async_copy(nodes_hbm.at[pl.ds(base, _CH)], rows_v, sem_b)
    cp_a.start()
    cp_b.start()

    zeros16 = jnp.zeros((16,), jnp.float32)
    iota16 = lax.iota(jnp.int32, 16)

    def zero_body(i, carry):
        for u in range(4):
            acc_v[i, pl.ds(u * 16, 16)] = zeros16
        return carry
    lax.fori_loop(0, _M, zero_body, 0)

    cp_a.wait()
    cp_b.wait()

    cols = [iota16 + c * 16 for c in range(_D // 16)]

    def node_body(jj, carry):
        j0 = jj * 8
        for u in range(8):
            a = idx_v[j0 + u, :]
            for c in range(_D // 16):
                vals = rows_v[j0 + u, pl.ds(c * 16, 16)]
                plsc.addupdate_scatter(acc_v, [a, cols[c]], vals)
        return carry
    lax.fori_loop(0, _CH // 8, node_body, 0)

    pltpu.sync_copy(acc_v, out_hbm.at[wid])


@functools.partial(
    pl.kernel,
    mesh=plsc.VectorSubcoreMesh(core_axis_name="c", subcore_axis_name="s"),
    compiler_params=pltpu.CompilerParams(needs_layout_passes=False),
    out_type=jax.ShapeDtypeStruct((_NW, _M, _D), jnp.float32),
    scratch_types=[
        pltpu.VMEM((_CH, 16), jnp.int32),
        pltpu.VMEM((_CH, _D), jnp.float32),
        pltpu.VMEM((_M, _D), jnp.float32),
        pltpu.SemaphoreType.DMA,
        pltpu.SemaphoreType.DMA,
    ],
)
def _sc_scatter(nodes_hbm, assign_hbm, out_hbm, idx_v, rows_v, acc_v,
                sem_a, sem_b):
    _sc_scatter_body(nodes_hbm, assign_hbm, out_hbm, idx_v, rows_v, acc_v,
                     sem_a, sem_b)


def _embed_body(parts_ref, emb_ref, out_ref):
    total = jnp.sum(parts_ref[...], axis=0)
    out_ref[...] = jax.lax.dot_general(
        emb_ref[...], total,
        (((1,), (0,)), ((), ())), preferred_element_type=jnp.float32)


def _tc_embed(parts, emb):
    return pl.pallas_call(
        _embed_body,
        in_specs=[
            pl.BlockSpec((_NW, _M, _D), lambda: (0, 0, 0)),
            pl.BlockSpec((_K, _M), lambda: (0, 0)),
        ],
        out_specs=pl.BlockSpec((_K, _D), lambda: (0, 0)),
        out_shape=jax.ShapeDtypeStruct((_K, _D), jnp.float32),
    )(parts, emb)


def kernel(nodes):
    nodes_t = jnp.transpose(nodes)
    assign = _tc_assign(nodes_t, nodes).reshape(_N, 16)
    parts = _sc_scatter(nodes, assign)
    return _tc_embed(parts, jnp.asarray(_EMB))

# --- scband reference (transcript-rebuilt; emitter-appended) ---
"""Pipeline reference for scband-kmeans-cluster-aggregator-7610682048681 (READ-ONLY COPY).

The authoritative reference and input builder live on the scoring server;
editing this copy changes nothing except your own understanding.
"""

import jax, jax.numpy as jnp
import numpy as np

NUM_CLUSTERS = 512


def setup_inputs(seed: int = 0) -> dict:
    key = jax.random.key(seed)
    nodes = jax.random.normal(key, (8192, 64), dtype=jnp.float32)
    return {"nodes": nodes}


def reference(nodes):
    n, d = nodes.shape
    # torch.randint(d, size=(num_clusters,)) -> deterministic JAX equivalent
    center_ind = jax.random.randint(jax.random.key(42), (NUM_CLUSTERS,), 0, d)
    centers = nodes[center_ind]
    # dist = ||nodes.unsqueeze(0) - centers.unsqueeze(1)||_2 over last dim -> [K, n]
    diff = nodes[None, :, :] - centers[:, None, :]
    dist = jnp.linalg.norm(diff, ord=2, axis=-1)
    assignment = jnp.argmin(dist, axis=0)
    # centers = zeros(K, d); index_add(centers, 0, assignment, nodes)
    out = jnp.zeros((NUM_CLUSTERS, d), dtype=nodes.dtype).at[assignment].add(nodes)
    return out

if __name__ == "__main__":
    import jax
    _d = setup_inputs()
    print(jax.jit(kernel)(*tuple(_d.values())))

</pallas_src>

<mosaic_0001>
#map = affine_map<(d0, d1) -> (0, 0)>
#map1 = affine_map<(d0, d1) -> (0, 0, 0)>
module attributes {stable_mosaic.version = 14 : i64} {
  func.func @_sc_scatter(%arg0: i32, %arg1: i32, %arg2: memref<8192x64xf32, #tpu.memory_space<hbm>>, %arg3: memref<8192x16xi32, #tpu.memory_space<hbm>>, %arg4: memref<32x64x64xf32, #tpu.memory_space<hbm>>, %arg5: memref<256x16xi32, #tpu.memory_space<vmem>>, %arg6: memref<256x64xf32, #tpu.memory_space<vmem>>, %arg7: memref<64x64xf32, #tpu.memory_space<vmem>>, %arg8: memref<!tpu.dma_semaphore, #tpu.memory_space<semaphore_mem>>, %arg9: memref<!tpu.dma_semaphore, #tpu.memory_space<semaphore_mem>>) attributes {dimension_semantics = [#tpu.dimension_semantics<core_parallel>, #tpu.dimension_semantics<subcore_parallel>], iteration_bounds = array<i64: 2, 16>, scalar_prefetch = 0 : i64, scratch_operands = 5 : i64, tpu.core_type = #tpu.core_type<sc_vector_subcore>, window_params = [{transform_indices = #map}, {transform_indices = #map}, {transform_indices = #map1}]} {
    %mul3A = arith.constant 2 : i32
    %mul3A_0 = arith.muli %arg1, %mul3A : i32
    %add3A = arith.addi %mul3A_0, %arg0 : i32
    %mul3A_1 = arith.constant 256 : i32
    %mul3A_2 = arith.muli %add3A, %mul3A_1 : i32
    %dma_start3A = arith.constant 0 : i32
    %dma_start3A_3 = tpu.memref_slice %arg3[%mul3A_2, %dma_start3A] : memref<8192x16xi32, #tpu.memory_space<hbm>> -> memref<256x16xi32, #tpu.memory_space<hbm>>
    %dma_start3A_4 = arith.constant 0 : i32
    %dma_start3A_5 = tpu.memref_slice %arg3[%mul3A_2, %dma_start3A_4] : memref<8192x16xi32, #tpu.memory_space<hbm>> -> memref<256x16xi32, #tpu.memory_space<hbm>>
    tpu.enqueue_dma source(%dma_start3A_5 : memref<256x16xi32, #tpu.memory_space<hbm>>) target(%arg5 : memref<256x16xi32, #tpu.memory_space<vmem>>) target_semaphore(%arg8 : memref<!tpu.dma_semaphore, #tpu.memory_space<semaphore_mem>>)
    %dma_start3A_6 = arith.constant 0 : i32
    %dma_start3A_7 = tpu.memref_slice %arg2[%mul3A_2, %dma_start3A_6] : memref<8192x64xf32, #tpu.memory_space<hbm>> -> memref<256x64xf32, #tpu.memory_space<hbm>>
    %dma_start3A_8 = arith.constant 0 : i32
    %dma_start3A_9 = tpu.memref_slice %arg2[%mul3A_2, %dma_start3A_8] : memref<8192x64xf32, #tpu.memory_space<hbm>> -> memref<256x64xf32, #tpu.memory_space<hbm>>
    tpu.enqueue_dma source(%dma_start3A_9 : memref<256x64xf32, #tpu.memory_space<hbm>>) target(%arg6 : memref<256x64xf32, #tpu.memory_space<vmem>>) target_semaphore(%arg9 : memref<!tpu.dma_semaphore, #tpu.memory_space<semaphore_mem>>)
    %broadcast_in_dim3A = arith.constant 0.000000e+00 : f32
    %broadcast_in_dim3A_10 = vector.broadcast %broadcast_in_dim3A : f32 to vector<16xf32>
    %iota3A = tpu.iota {dimensions = array<i32: 0>} : vector<16xi32>
    %scan3A = arith.constant 0 : i32
    %scan3A_11 = arith.constant 0 : i32
    %scan3A_12 = arith.constant 64 : i32
    %scan3A_13 = arith.addi %scan3A_11, %scan3A_12 : i32
    %scan3A_14 = arith.constant 1 : i32
    scf.for %scan3A_41 = %scan3A_11 to %scan3A_13 step %scan3A_14  : i32 {
      %swap3A = arith.index_cast %scan3A_41 : i32 to index
      %swap3A_42 = arith.constant 0 : index
      %swap3A_43 = tpu.vector_load %arg7[%swap3A, %swap3A_42] {strides = array<i32>} : memref<64x64xf32, #tpu.memory_space<vmem>>, vector<16xf32>,
      tpu.vector_store %arg7[%swap3A, %swap3A_42], %broadcast_in_dim3A_10 {strides = array<i32>} : memref<64x64xf32, #tpu.memory_space<vmem>>, vector<16xf32>,
      %swap3A_44 = arith.index_cast %scan3A_41 : i32 to index
      %swap3A_45 = arith.constant 16 : index
      %swap3A_46 = tpu.vector_load %arg7[%swap3A_44, %swap3A_45] {strides = array<i32>} : memref<64x64xf32, #tpu.memory_space<vmem>>, vector<16xf32>,
      tpu.vector_store %arg7[%swap3A_44, %swap3A_45], %broadcast_in_dim3A_10 {strides = array<i32>} : memref<64x64xf32, #tpu.memory_space<vmem>>, vector<16xf32>,
      %swap3A_47 = arith.index_cast %scan3A_41 : i32 to index
      %swap3A_48 = arith.constant 32 : index
      %swap3A_49 = tpu.vector_load %arg7[%swap3A_47, %swap3A_48] {strides = array<i32>} : memref<64x64xf32, #tpu.memory_space<vmem>>, vector<16xf32>,
      tpu.vector_store %arg7[%swap3A_47, %swap3A_48], %broadcast_in_dim3A_10 {strides = array<i32>} : memref<64x64xf32, #tpu.memory_space<vmem>>, vector<16xf32>,
      %swap3A_50 = arith.index_cast %scan3A_41 : i32 to index
      %swap3A_51 = arith.constant 48 : index
      %swap3A_52 = tpu.vector_load %arg7[%swap3A_50, %swap3A_51] {strides = array<i32>} : memref<64x64xf32, #tpu.memory_space<vmem>>, vector<16xf32>,
      tpu.vector_store %arg7[%swap3A_50, %swap3A_51], %broadcast_in_dim3A_10 {strides = array<i32>} : memref<64x64xf32, #tpu.memory_space<vmem>>, vector<16xf32>,
    }
    %scan3A_15 = arith.constant 64 : i32
    %dma_wait3A = arith.constant 0 : i32
    %dma_wait3A_16 = tpu.memref_slice %arg3[%mul3A_2, %dma_wait3A] : memref<8192x16xi32, #tpu.memory_space<hbm>> -> memref<256x16xi32, #tpu.memory_space<hbm>>
    %dma_wait3A_17 = arith.constant 0 : i32
    %dma_wait3A_18 = tpu.memref_slice %arg3[%mul3A_2, %dma_wait3A_17] : memref<8192x16xi32, #tpu.memory_space<hbm>> -> memref<256x16xi32, #tpu.memory_space<hbm>>
    tpu.wait_dma2 semaphore(%arg8 : memref<!tpu.dma_semaphore, #tpu.memory_space<semaphore_mem>>) src(%dma_wait3A_18 : memref<256x16xi32, #tpu.memory_space<hbm>>) dst(%arg5 : memref<256x16xi32, #tpu.memory_space<vmem>>)
    %dma_wait3A_19 = arith.constant 0 : i32
    %dma_wait3A_20 = tpu.memref_slice %arg2[%mul3A_2, %dma_wait3A_19] : memref<8192x64xf32, #tpu.memory_space<hbm>> -> memref<256x64xf32, #tpu.memory_space<hbm>>
    %dma_wait3A_21 = arith.constant 0 : i32
    %dma_wait3A_22 = tpu.memref_slice %arg2[%mul3A_2, %dma_wait3A_21] : memref<8192x64xf32, #tpu.memory_space<hbm>> -> memref<256x64xf32, #tpu.memory_space<hbm>>
    tpu.wait_dma2 semaphore(%arg9 : memref<!tpu.dma_semaphore, #tpu.memory_space<semaphore_mem>>) src(%dma_wait3A_22 : memref<256x64xf32, #tpu.memory_space<hbm>>) dst(%arg6 : memref<256x64xf32, #tpu.memory_space<vmem>>)
    %add3A_23 = arith.constant 0 : i32
    %add3A_24 = vector.broadcast %add3A_23 : i32 to vector<16xi32>
    %add3A_25 = arith.addi %iota3A, %add3A_24 : vector<16xi32>
    %add3A_26 = arith.constant 16 : i32
    %add3A_27 = vector.broadcast %add3A_26 : i32 to vector<16xi32>
    %add3A_28 = arith.addi %iota3A, %add3A_27 : vector<16xi32>
    %add3A_29 = arith.constant 32 : i32
    %add3A_30 = vector.broadcast %add3A_29 : i32 to vector<16xi32>
    %add3A_31 = arith.addi %iota3A, %add3A_30 : vector<16xi32>
    %add3A_32 = arith.constant 48 : i32
    %add3A_33 = vector.broadcast %add3A_32 : i32 to vector<16xi32>
    %add3A_34 = arith.addi %iota3A, %add3A_33 : vector<16xi32>
    %scan3A_35 = arith.constant 0 : i32
    %scan3A_36 = arith.constant 0 : i32
    %scan3A_37 = arith.constant 32 : i32
    %scan3A_38 = arith.addi %scan3A_36, %scan3A_37 : i32
    %scan3A_39 = arith.constant 1 : i32
    scf.for %scan3A_41 = %scan3A_36 to %scan3A_38 step %scan3A_39  : i32 {
      %mul3A_42 = arith.constant 8 : i32
      %mul3A_43 = arith.muli %scan3A_41, %mul3A_42 : i32
      %add3A_44 = arith.constant 0 : i32
      %add3A_45 = arith.addi %mul3A_43, %add3A_44 : i32
      %get3A = arith.index_cast %add3A_45 : i32 to index
      %get3A_46 = arith.constant 0 : index
      %get3A_47 = tpu.vector_load %arg5[%get3A, %get3A_46] {strides = array<i32>} : memref<256x16xi32, #tpu.memory_space<vmem>>, vector<16xi32>,
      %add3A_48 = arith.constant 0 : i32
      %add3A_49 = arith.addi %mul3A_43, %add3A_48 : i32
      %get3A_50 = arith.index_cast %add3A_49 : i32 to index
      %get3A_51 = arith.constant 0 : index
      %get3A_52 = tpu.vector_load %arg6[%get3A_50, %get3A_51] {strides = array<i32>} : memref<256x64xf32, #tpu.memory_space<vmem>>, vector<16xf32>,
      tpu.vector_store_idx %arg7[%get3A_47, %add3A_25], %get3A_52 {add = true} : memref<64x64xf32, #tpu.memory_space<vmem>>[vector<16xi32>, vector<16xi32>], vector<16xf32>,
      %add3A_53 = arith.constant 0 : i32
      %add3A_54 = arith.addi %mul3A_43, %add3A_53 : i32
      %get3A_55 = arith.index_cast %add3A_54 : i32 to index
      %get3A_56 = arith.constant 16 : index
      %get3A_57 = tpu.vector_load %arg6[%get3A_55, %get3A_56] {strides = array<i32>} : memref<256x64xf32, #tpu.memory_space<vmem>>, vector<16xf32>,
      tpu.vector_store_idx %arg7[%get3A_47, %add3A_28], %get3A_57 {add = true} : memref<64x64xf32, #tpu.memory_space<vmem>>[vector<16xi32>, vector<16xi32>], vector<16xf32>,
      %add3A_58 = arith.constant 0 : i32
      %add3A_59 = arith.addi %mul3A_43, %add3A_58 : i32
      %get3A_60 = arith.index_cast %add3A_59 : i32 to index
      %get3A_61 = arith.constant 32 : index
      %get3A_62 = tpu.vector_load %arg6[%get3A_60, %get3A_61] {strides = array<i32>} : memref<256x64xf32, #tpu.memory_space<vmem>>, vector<16xf32>,
      tpu.vector_store_idx %arg7[%get3A_47, %add3A_31], %get3A_62 {add = true} : memref<64x64xf32, #tpu.memory_space<vmem>>[vector<16xi32>, vector<16xi32>], vector<16xf32>,
      %add3A_63 = arith.constant 0 : i32
      %add3A_64 = arith.addi %mul3A_43, %add3A_63 : i32
      %get3A_65 = arith.index_cast %add3A_64 : i32 to index
      %get3A_66 = arith.constant 48 : index
      %get3A_67 = tpu.vector_load %arg6[%get3A_65, %get3A_66] {strides = array<i32>} : memref<256x64xf32, #tpu.memory_space<vmem>>, vector<16xf32>,
      tpu.vector_store_idx %arg7[%get3A_47, %add3A_34], %get3A_67 {add = true} : memref<64x64xf32, #tpu.memory_space<vmem>>[vector<16xi32>, vector<16xi32>], vector<16xf32>,
      %add3A_68 = arith.constant 1 : i32
      %add3A_69 = arith.addi %mul3A_43, %add3A_68 : i32
      %get3A_70 = arith.index_cast %add3A_69 : i32 to index
      %get3A_71 = arith.constant 0 : index
      %get3A_72 = tpu.vector_load %arg5[%get3A_70, %get3A_71] {strides = array<i32>} : memref<256x16xi32, #tpu.memory_space<vmem>>, vector<16xi32>,
      %add3A_73 = arith.constant 1 : i32
      %add3A_74 = arith.addi %mul3A_43, %add3A_73 : i32
      %get3A_75 = arith.index_cast %add3A_74 : i32 to index
      %get3A_76 = arith.constant 0 : index
      %get3A_77 = tpu.vector_load %arg6[%get3A_75, %get3A_76] {strides = array<i32>} : memref<256x64xf32, #tpu.memory_space<vmem>>, vector<16xf32>,
      tpu.vector_store_idx %arg7[%get3A_72, %add3A_25], %get3A_77 {add = true} : memref<64x64xf32, #tpu.memory_space<vmem>>[vector<16xi32>, vector<16xi32>], vector<16xf32>,
      %add3A_78 = arith.constant 1 : i32
      %add3A_79 = arith.addi %mul3A_43, %add3A_78 : i32
      %get3A_80 = arith.index_cast %add3A_79 : i32 to index
      %get3A_81 = arith.constant 16 : index
      %get3A_82 = tpu.vector_load %arg6[%get3A_80, %get3A_81] {strides = array<i32>} : memref<256x64xf32, #tpu.memory_space<vmem>>, vector<16xf32>,
      tpu.vector_store_idx %arg7[%get3A_72, %add3A_28], %get3A_82 {add = true} : memref<64x64xf32, #tpu.memory_space<vmem>>[vector<16xi32>, vector<16xi32>], vector<16xf32>,
      %add3A_83 = arith.constant 1 : i32
      %add3A_84 = arith.addi %mul3A_43, %add3A_83 : i32
      %get3A_85 = arith.index_cast %add3A_84 : i32 to index
      %get3A_86 = arith.constant 32 : index
      %get3A_87 = tpu.vector_load %arg6[%get3A_85, %get3A_86] {strides = array<i32>} : memref<256x64xf32, #tpu.memory_space<vmem>>, vector<16xf32>,
      tpu.vector_store_idx %arg7[%get3A_72, %add3A_31], %get3A_87 {add = true} : memref<64x64xf32, #tpu.memory_space<vmem>>[vector<16xi32>, vector<16xi32>], vector<16xf32>,
      %add3A_88 = arith.constant 1 : i32
      %add3A_89 = arith.addi %mul3A_43, %add3A_88 : i32
      %get3A_90 = arith.index_cast %add3A_89 : i32 to index
      %get3A_91 = arith.constant 48 : index
      %get3A_92 = tpu.vector_load %arg6[%get3A_90, %get3A_91] {strides = array<i32>} : memref<256x64xf32, #tpu.memory_space<vmem>>, vector<16xf32>,
      tpu.vector_store_idx %arg7[%get3A_72, %add3A_34], %get3A_92 {add = true} : memref<64x64xf32, #tpu.memory_space<vmem>>[vector<16xi32>, vector<16xi32>], vector<16xf32>,
      %add3A_93 = arith.constant 2 : i32
      %add3A_94 = arith.addi %mul3A_43, %add3A_93 : i32
      %get3A_95 = arith.index_cast %add3A_94 : i32 to index
      %get3A_96 = arith.constant 0 : index
      %get3A_97 = tpu.vector_load %arg5[%get3A_95, %get3A_96] {strides = array<i32>} : memref<256x16xi32, #tpu.memory_space<vmem>>, vector<16xi32>,
      %add3A_98 = arith.constant 2 : i32
      %add3A_99 = arith.addi %mul3A_43, %add3A_98 : i32
      %get3A_100 = arith.index_cast %add3A_99 : i32 to index
      %get3A_101 = arith.constant 0 : index
      %get3A_102 = tpu.vector_load %arg6[%get3A_100, %get3A_101] {strides = array<i32>} : memref<256x64xf32, #tpu.memory_space<vmem>>, vector<16xf32>,
      tpu.vector_store_idx %arg7[%get3A_97, %add3A_25], %get3A_102 {add = true} : memref<64x64xf32, #tpu.memory_space<vmem>>[vector<16xi32>, vector<16xi32>], vector<16xf32>,
      %add3A_103 = arith.constant 2 : i32
      %add3A_104 = arith.addi %mul3A_43, %add3A_103 : i32
      %get3A_105 = arith.index_cast %add3A_104 : i32 to index
      %get3A_106 = arith.constant 16 : index
      %get3A_107 = tpu.vector_load %arg6[%get3A_105, %get3A_106] {strides = array<i32>} : memref<256x64xf32, #tpu.memory_space<vmem>>, vector<16xf32>,
      tpu.vector_store_idx %arg7[%get3A_97, %add3A_28], %get3A_107 {add = true} : memref<64x64xf32, #tpu.memory_space<vmem>>[vector<16xi32>, vector<16xi32>], vector<16xf32>,
      %add3A_108 = arith.constant 2 : i32
      %add3A_109 = arith.addi %mul3A_43, %add3A_108 : i32
      %get3A_110 = arith.index_cast %add3A_109 : i32 to index
      %get3A_111 = arith.constant 32 : index
      %get3A_112 = tpu.vector_load %arg6[%get3A_110, %get3A_111] {strides = array<i32>} : memref<256x64xf32, #tpu.memory_space<vmem>>, vector<16xf32>,
      tpu.vector_store_idx %arg7[%get3A_97, %add3A_31], %get3A_112 {add = true} : memref<64x64xf32, #tpu.memory_space<vmem>>[vector<16xi32>, vector<16xi32>], vector<16xf32>,
      %add3A_113 = arith.constant 2 : i32
      %add3A_114 = arith.addi %mul3A_43, %add3A_113 : i32
      %get3A_115 = arith.index_cast %add3A_114 : i32 to index
      %get3A_116 = arith.constant 48 : index
      %get3A_117 = tpu.vector_load %arg6[%get3A_115, %get3A_116] {strides = array<i32>} : memref<256x64xf32, #tpu.memory_space<vmem>>, vector<16xf32>,
      tpu.vector_store_idx %arg7[%get3A_97, %add3A_34], %get3A_117 {add = true} : memref<64x64xf32, #tpu.memory_space<vmem>>[vector<16xi32>, vector<16xi32>], vector<16xf32>,
      %add3A_118 = arith.constant 3 : i32
      %add3A_119 = arith.addi %mul3A_43, %add3A_118 : i32
      %get3A_120 = arith.index_cast %add3A_119 : i32 to index
      %get3A_121 = arith.constant 0 : index
      %get3A_122 = tpu.vector_load %arg5[%get3A_120, %get3A_121] {strides = array<i32>} : memref<256x16xi32, #tpu.memory_space<vmem>>, vector<16xi32>,
      %add3A_123 = arith.constant 3 : i32
      %add3A_124 = arith.addi %mul3A_43, %add3A_123 : i32
      %get3A_125 = arith.index_cast %add3A_124 : i32 to index
      %get3A_126 = arith.constant 0 : index
      %get3A_127 = tpu.vector_load %arg6[%get3A_125, %get3A_126] {strides = array<i32>} : memref<256x64xf32, #tpu.memory_space<vmem>>, vector<16xf32>,
      tpu.vector_store_idx %arg7[%get3A_122, %add3A_25], %get3A_127 {add = true} : memref<64x64xf32, #tpu.memory_space<vmem>>[vector<16xi32>, vector<16xi32>], vector<16xf32>,
      %add3A_128 = arith.constant 3 : i32
      %add3A_129 = arith.addi %mul3A_43, %add3A_128 : i32
      %get3A_130 = arith.index_cast %add3A_129 : i32 to index
      %get3A_131 = arith.constant 16 : index
      %get3A_132 = tpu.vector_load %arg6[%get3A_130, %get3A_131] {strides = array<i32>} : memref<256x64xf32, #tpu.memory_space<vmem>>, vector<16xf32>,
      tpu.vector_store_idx %arg7[%get3A_122, %add3A_28], %get3A_132 {add = true} : memref<64x64xf32, #tpu.memory_space<vmem>>[vector<16xi32>, vector<16xi32>], vector<16xf32>,
      %add3A_133 = arith.constant 3 : i32
      %add3A_134 = arith.addi %mul3A_43, %add3A_133 : i32
      %get3A_135 = arith.index_cast %add3A_134 : i32 to index
      %get3A_136 = arith.constant 32 : index
      %get3A_137 = tpu.vector_load %arg6[%get3A_135, %get3A_136] {strides = array<i32>} : memref<256x64xf32, #tpu.memory_space<vmem>>, vector<16xf32>,
      tpu.vector_store_idx %arg7[%get3A_122, %add3A_31], %get3A_137 {add = true} : memref<64x64xf32, #tpu.memory_space<vmem>>[vector<16xi32>, vector<16xi32>], vector<16xf32>,
      %add3A_138 = arith.constant 3 : i32
      %add3A_139 = arith.addi %mul3A_43, %add3A_138 : i32
      %get3A_140 = arith.index_cast %add3A_139 : i32 to index
      %get3A_141 = arith.constant 48 : index
      %get3A_142 = tpu.vector_load %arg6[%get3A_140, %get3A_141] {strides = array<i32>} : memref<256x64xf32, #tpu.memory_space<vmem>>, vector<16xf32>,
      tpu.vector_store_idx %arg7[%get3A_122, %add3A_34], %get3A_142 {add = true} : memref<64x64xf32, #tpu.memory_space<vmem>>[vector<16xi32>, vector<16xi32>], vector<16xf32>,
      %add3A_143 = arith.constant 4 : i32
      %add3A_144 = arith.addi %mul3A_43, %add3A_143 : i32
      %get3A_145 = arith.index_cast %add3A_144 : i32 to index
      %get3A_146 = arith.constant 0 : index
      %get3A_147 = tpu.vector_load %arg5[%get3A_145, %get3A_146] {strides = array<i32>} : memref<256x16xi32, #tpu.memory_space<vmem>>, vector<16xi32>,
      %add3A_148 = arith.constant 4 : i32
      %add3A_149 = arith.addi %mul3A_43, %add3A_148 : i32
      %get3A_150 = arith.index_cast %add3A_149 : i32 to index
      %get3A_151 = arith.constant 0 : index
      %get3A_152 = tpu.vector_load %arg6[%get3A_150, %get3A_151] {strides = array<i32>} : memref<256x64xf32, #tpu.memory_space<vmem>>, vector<16xf32>,
      tpu.vector_store_idx %arg7[%get3A_147, %add3A_25], %get3A_152 {add = true} : memref<64x64xf32, #tpu.memory_space<vmem>>[vector<16xi32>, vector<16xi32>], vector<16xf32>,
      %add3A_153 = arith.constant 4 : i32
      %add3A_154 = arith.addi %mul3A_43, %add3A_153 : i32
      %get3A_155 = arith.index_cast %add3A_154 : i32 to index
      %get3A_156 = arith.constant 16 : index
      %get3A_157 = tpu.vector_load %arg6[%get3A_155, %get3A_156] {strides = array<i32>} : memref<256x64xf32, #tpu.memory_space<vmem>>, vector<16xf32>,
      tpu.vector_store_idx %arg7[%get3A_147, %add3A_28], %get3A_157 {add = true} : memref<64x64xf32, #tpu.memory_space<vmem>>[vector<16xi32>, vector<16xi32>], vector<16xf32>,
      %add3A_158 = arith.constant 4 : i32
      %add3A_159 = arith.addi %mul3A_43, %add3A_158 : i32
      %get3A_160 = arith.index_cast %add3A_159 : i32 to index
      %get3A_161 = arith.constant 32 : index
      %get3A_162 = tpu.vector_load %arg6[%get3A_160, %get3A_161] {strides = array<i32>} : memref<256x64xf32, #tpu.memory_space<vmem>>, vector<16xf32>,
      tpu.vector_store_idx %arg7[%get3A_147, %add3A_31], %get3A_162 {add = true} : memref<64x64xf32, #tpu.memory_space<vmem>>[vector<16xi32>, vector<16xi32>], vector<16xf32>,
      %add3A_163 = arith.constant 4 : i32
      %add3A_164 = arith.addi %mul3A_43, %add3A_163 : i32
      %get3A_165 = arith.index_cast %add3A_164 : i32 to index
      %get3A_166 = arith.constant 48 : index
      %get3A_167 = tpu.vector_load %arg6[%get3A_165, %get3A_166] {strides = array<i32>} : memref<256x64xf32, #tpu.memory_space<vmem>>, vector<16xf32>,
      tpu.vector_store_idx %arg7[%get3A_147, %add3A_34], %get3A_167 {add = true} : memref<64x64xf32, #tpu.memory_space<vmem>>[vector<16xi32>, vector<16xi32>], vector<16xf32>,
      %add3A_168 = arith.constant 5 : i32
      %add3A_169 = arith.addi %mul3A_43, %add3A_168 : i32
      %get3A_170 = arith.index_cast %add3A_169 : i32 to index
      %get3A_171 = arith.constant 0 : index
      %get3A_172 = tpu.vector_load %arg5[%get3A_170, %get3A_171] {strides = array<i32>} : memref<256x16xi32, #tpu.memory_space<vmem>>, vector<16xi32>,
      %add3A_173 = arith.constant 5 : i32
      %add3A_174 = arith.addi %mul3A_43, %add3A_173 : i32
      %get3A_175 = arith.index_cast %add3A_174 : i32 to index
      %get3A_176 = arith.constant 0 : index
      %get3A_177 = tpu.vector_load %arg6[%get3A_175, %get3A_176] {strides = array<i32>} : memref<256x64xf32, #tpu.memory_space<vmem>>, vector<16xf32>,
      tpu.vector_store_idx %arg7[%get3A_172, %add3A_25], %get3A_177 {add = true} : memref<64x64xf32, #tpu.memory_space<vmem>>[vector<16xi32>, vector<16xi32>], vector<16xf32>,
      %add3A_178 = arith.constant 5 : i32
      %add3A_179 = arith.addi %mul3A_43, %add3A_178 : i32
      %get3A_180 = arith.index_cast %add3A_179 : i32 to index
      %get3A_181 = arith.constant 16 : index
      %get3A_182 = tpu.vector_load %arg6[%get3A_180, %get3A_181] {strides = array<i32>} : memref<256x64xf32, #tpu.memory_space<vmem>>, vector<16xf32>,
      tpu.vector_store_idx %arg7[%get3A_172, %add3A_28], %get3A_182 {add = true} : memref<64x64xf32, #tpu.memory_space<vmem>>[vector<16xi32>, vector<16xi32>], vector<16xf32>,
      %add3A_183 = arith.constant 5 : i32
      %add3A_184 = arith.addi %mul3A_43, %add3A_183 : i32
      %get3A_185 = arith.index_cast %add3A_184 : i32 to index
      %get3A_186 = arith.constant 32 : index
      %get3A_187 = tpu.vector_load %arg6[%get3A_185, %get3A_186] {strides = array<i32>} : memref<256x64xf32, #tpu.memory_space<vmem>>, vector<16xf32>,
      tpu.vector_store_idx %arg7[%get3A_172, %add3A_31], %get3A_187 {add = true} : memref<64x64xf32, #tpu.memory_space<vmem>>[vector<16xi32>, vector<16xi32>], vector<16xf32>,
      %add3A_188 = arith.constant 5 : i32
      %add3A_189 = arith.addi %mul3A_43, %add3A_188 : i32
      %get3A_190 = arith.index_cast %add3A_189 : i32 to index
      %get3A_191 = arith.constant 48 : index
      %get3A_192 = tpu.vector_load %arg6[%get3A_190, %get3A_191] {strides = array<i32>} : memref<256x64xf32, #tpu.memory_space<vmem>>, vector<16xf32>,
      tpu.vector_store_idx %arg7[%get3A_172, %add3A_34], %get3A_192 {add = true} : memref<64x64xf32, #tpu.memory_space<vmem>>[vector<16xi32>, vector<16xi32>], vector<16xf32>,
      %add3A_193 = arith.constant 6 : i32
      %add3A_194 = arith.addi %mul3A_43, %add3A_193 : i32
      %get3A_195 = arith.index_cast %add3A_194 : i32 to index
      %get3A_196 = arith.constant 0 : index
      %get3A_197 = tpu.vector_load %arg5[%get3A_195, %get3A_196] {strides = array<i32>} : memref<256x16xi32, #tpu.memory_space<vmem>>, vector<16xi32>,
      %add3A_198 = arith.constant 6 : i32
      %add3A_199 = arith.addi %mul3A_43, %add3A_198 : i32
      %get3A_200 = arith.index_cast %add3A_199 : i32 to index
      %get3A_201 = arith.constant 0 : index
      %get3A_202 = tpu.vector_load %arg6[%get3A_200, %get3A_201] {strides = array<i32>} : memref<256x64xf32, #tpu.memory_space<vmem>>, vector<16xf32>,
      tpu.vector_store_idx %arg7[%get3A_197, %add3A_25], %get3A_202 {add = true} : memref<64x64xf32, #tpu.memory_space<vmem>>[vector<16xi32>, vector<16xi32>], vector<16xf32>,
      %add3A_203 = arith.constant 6 : i32
      %add3A_204 = arith.addi %mul3A_43, %add3A_203 : i32
      %get3A_205 = arith.index_cast %add3A_204 : i32 to index
      %get3A_206 = arith.constant 16 : index
      %get3A_207 = tpu.vector_load %arg6[%get3A_205, %get3A_206] {strides = array<i32>} : memref<256x64xf32, #tpu.memory_space<vmem>>, vector<16xf32>,
      tpu.vector_store_idx %arg7[%get3A_197, %add3A_28], %get3A_207 {add = true} : memref<64x64xf32, #tpu.memory_space<vmem>>[vector<16xi32>, vector<16xi32>], vector<16xf32>,
      %add3A_208 = arith.constant 6 : i32
      %add3A_209 = arith.addi %mul3A_43, %add3A_208 : i32
      %get3A_210 = arith.index_cast %add3A_209 : i32 to index
      %get3A_211 = arith.constant 32 : index
      %get3A_212 = tpu.vector_load %arg6[%get3A_210, %get3A_211] {strides = array<i32>} : memref<256x64xf32, #tpu.memory_space<vmem>>, vector<16xf32>,
      tpu.vector_store_idx %arg7[%get3A_197, %add3A_31], %get3A_212 {add = true} : memref<64x64xf32, #tpu.memory_space<vmem>>[vector<16xi32>, vector<16xi32>], vector<16xf32>,
      %add3A_213 = arith.constant 6 : i32
      %add3A_214 = arith.addi %mul3A_43, %add3A_213 : i32
      %get3A_215 = arith.index_cast %add3A_214 : i32 to index
      %get3A_216 = arith.constant 48 : index
      %get3A_217 = tpu.vector_load %arg6[%get3A_215, %get3A_216] {strides = array<i32>} : memref<256x64xf32, #tpu.memory_space<vmem>>, vector<16xf32>,
      tpu.vector_store_idx %arg7[%get3A_197, %add3A_34], %get3A_217 {add = true} : memref<64x64xf32, #tpu.memory_space<vmem>>[vector<16xi32>, vector<16xi32>], vector<16xf32>,
      %add3A_218 = arith.constant 7 : i32
      %add3A_219 = arith.addi %mul3A_43, %add3A_218 : i32
      %get3A_220 = arith.index_cast %add3A_219 : i32 to index
      %get3A_221 = arith.constant 0 : index
      %get3A_222 = tpu.vector_load %arg5[%get3A_220, %get3A_221] {strides = array<i32>} : memref<256x16xi32, #tpu.memory_space<vmem>>, vector<16xi32>,
      %add3A_223 = arith.constant 7 : i32
      %add3A_224 = arith.addi %mul3A_43, %add3A_223 : i32
      %get3A_225 = arith.index_cast %add3A_224 : i32 to index
      %get3A_226 = arith.constant 0 : index
      %get3A_227 = tpu.vector_load %arg6[%get3A_225, %get3A_226] {strides = array<i32>} : memref<256x64xf32, #tpu.memory_space<vmem>>, vector<16xf32>,
      tpu.vector_store_idx %arg7[%get3A_222, %add3A_25], %get3A_227 {add = true} : memref<64x64xf32, #tpu.memory_space<vmem>>[vector<16xi32>, vector<16xi32>], vector<16xf32>,
      %add3A_228 = arith.constant 7 : i32
      %add3A_229 = arith.addi %mul3A_43, %add3A_228 : i32
      %get3A_230 = arith.index_cast %add3A_229 : i32 to index
      %get3A_231 = arith.constant 16 : index
      %get3A_232 = tpu.vector_load %arg6[%get3A_230, %get3A_231] {strides = array<i32>} : memref<256x64xf32, #tpu.memory_space<vmem>>, vector<16xf32>,
      tpu.vector_store_idx %arg7[%get3A_222, %add3A_28], %get3A_232 {add = true} : memref<64x64xf32, #tpu.memory_space<vmem>>[vector<16xi32>, vector<16xi32>], vector<16xf32>,
      %add3A_233 = arith.constant 7 : i32
      %add3A_234 = arith.addi %mul3A_43, %add3A_233 : i32
      %get3A_235 = arith.index_cast %add3A_234 : i32 to index
      %get3A_236 = arith.constant 32 : index
      %get3A_237 = tpu.vector_load %arg6[%get3A_235, %get3A_236] {strides = array<i32>} : memref<256x64xf32, #tpu.memory_space<vmem>>, vector<16xf32>,
      tpu.vector_store_idx %arg7[%get3A_222, %add3A_31], %get3A_237 {add = true} : memref<64x64xf32, #tpu.memory_space<vmem>>[vector<16xi32>, vector<16xi32>], vector<16xf32>,
      %add3A_238 = arith.constant 7 : i32
      %add3A_239 = arith.addi %mul3A_43, %add3A_238 : i32
      %get3A_240 = arith.index_cast %add3A_239 : i32 to index
      %get3A_241 = arith.constant 48 : index
      %get3A_242 = tpu.vector_load %arg6[%get3A_240, %get3A_241] {strides = array<i32>} : memref<256x64xf32, #tpu.memory_space<vmem>>, vector<16xf32>,
      tpu.vector_store_idx %arg7[%get3A_222, %add3A_34], %get3A_242 {add = true} : memref<64x64xf32, #tpu.memory_space<vmem>>[vector<16xi32>, vector<16xi32>], vector<16xf32>,
    }
    %scan3A_40 = arith.constant 32 : i32
    "tpu.region"() ({
      %run_scoped3A = tpu.sem_alloc : memref<!tpu.dma_semaphore, #tpu.memory_space<semaphore_mem>>
      %dma_start3A_41 = arith.constant 0 : i32
      %dma_start3A_42 = arith.constant 0 : i32
      %dma_start3A_43 = tpu.memref_slice %arg4[%add3A, %dma_start3A_41, %dma_start3A_42] : memref<32x64x64xf32, #tpu.memory_space<hbm>> -> memref<1x64x64xf32, #tpu.memory_space<hbm>>
      %dma_start3A_44 = tpu.memref_squeeze %dma_start3A_43 : memref<1x64x64xf32, #tpu.memory_space<hbm>> -> memref<64x64xf32, #tpu.memory_space<hbm>>
      %dma_start3A_45 = arith.constant 0 : i32
      %dma_start3A_46 = arith.constant 0 : i32
      %dma_start3A_47 = tpu.memref_slice %arg4[%add3A, %dma_start3A_45, %dma_start3A_46] : memref<32x64x64xf32, #tpu.memory_space<hbm>> -> memref<1x64x64xf32, #tpu.memory_space<hbm>>
      %dma_start3A_48 = tpu.memref_squeeze %dma_start3A_47 : memref<1x64x64xf32, #tpu.memory_space<hbm>> -> memref<64x64xf32, #tpu.memory_space<hbm>>
      tpu.enqueue_dma source(%arg7 : memref<64x64xf32, #tpu.memory_space<vmem>>) target(%dma_start3A_48 : memref<64x64xf32, #tpu.memory_space<hbm>>) target_semaphore(%run_scoped3A : memref<!tpu.dma_semaphore, #tpu.memory_space<semaphore_mem>>)
      %dma_wait3A_49 = arith.constant 0 : i32
      %dma_wait3A_50 = arith.constant 0 : i32
      %dma_wait3A_51 = tpu.memref_slice %arg4[%add3A, %dma_wait3A_49, %dma_wait3A_50] : memref<32x64x64xf32, #tpu.memory_space<hbm>> -> memref<1x64x64xf32, #tpu.memory_space<hbm>>
      %dma_wait3A_52 = tpu.memref_squeeze %dma_wait3A_51 : memref<1x64x64xf32, #tpu.memory_space<hbm>> -> memref<64x64xf32, #tpu.memory_space<hbm>>
      %dma_wait3A_53 = arith.constant 0 : i32
      %dma_wait3A_54 = arith.constant 0 : i32
      %dma_wait3A_55 = tpu.memref_slice %arg4[%add3A, %dma_wait3A_53, %dma_wait3A_54] : memref<32x64x64xf32, #tpu.memory_space<hbm>> -> memref<1x64x64xf32, #tpu.memory_space<hbm>>
      %dma_wait3A_56 = tpu.memref_squeeze %dma_wait3A_55 : memref<1x64x64xf32, #tpu.memory_space<hbm>> -> memref<64x64xf32, #tpu.memory_space<hbm>>
      tpu.wait_dma2 semaphore(%run_scoped3A : memref<!tpu.dma_semaphore, #tpu.memory_space<semaphore_mem>>) src(%arg7 : memref<64x64xf32, #tpu.memory_space<vmem>>) dst(%dma_wait3A_56 : memref<64x64xf32, #tpu.memory_space<hbm>>)
      tpu.yield
    }) : () -> ()
    return
  }
}

module attributes {stable_mosaic.version = 14 : i64} {
  func.func @_embed_body(%arg0: memref<32x64x64xf32, #tpu.memory_space<vmem>>, %arg1: memref<512x64xf32, #tpu.memory_space<vmem>>, %arg2: memref<512x64xf32, #tpu.memory_space<vmem>>) attributes {dimension_semantics = [], scalar_prefetch = 0 : i64, scratch_operands = 0 : i64, tpu.core_type = #tpu.core_type<tc>} {
    %get3A = arith.constant 0 : index
    %get3A_0 = arith.constant 0 : index
    %get3A_1 = arith.constant 0 : index
    %get3A_2 = vector.load %arg0[%get3A, %get3A_0, %get3A_1] : memref<32x64x64xf32, #tpu.memory_space<vmem>>, vector<32x64x64xf32>
    %reduce_sum3A = arith.constant dense<0.000000e+00> : vector<64x64xf32>
    %reduce_sum3A_3 = vector.multi_reduction <add>, %get3A_2, %reduce_sum3A [0] : vector<32x64x64xf32> to vector<64x64xf32>
    %get3A_4 = arith.constant 0 : index
    %get3A_5 = arith.constant 0 : index
    %get3A_6 = vector.load %arg1[%get3A_4, %get3A_5] : memref<512x64xf32, #tpu.memory_space<vmem>>, vector<512x64xf32>
    %dot_general3A = arith.constant dense<0.000000e+00> : vector<512x64xf32>
    %dot_general3A_7 = tpu.matmul %get3A_6, %reduce_sum3A_3, %dot_general3A {dimension_numbers = #tpu.dot_dimension_numbers<[1], [0], [0], [1], [0, 0, 1, 1], [], []>, transpose_lhs_hint = false} : vector<512x64xf32>, vector<64x64xf32>, vector<512x64xf32> -> vector<512x64xf32>
    %swap3A = arith.constant 0 : index
    %swap3A_8 = arith.constant 0 : index
    %swap3A_9 = vector.load %arg2[%swap3A, %swap3A_8] : memref<512x64xf32, #tpu.memory_space<vmem>>, vector<512x64xf32>
    tpu.vector_store %arg2[%swap3A, %swap3A_8], %dot_general3A_7 {strides = array<i32>} : memref<512x64xf32, #tpu.memory_space<vmem>>, vector<512x64xf32>,
    return
  }
}

module attributes {stable_mosaic.version = 14 : i64} {
  func.func @_assign_body(%arg0: i32, %arg1: memref<64x2048xf32, #tpu.memory_space<vmem>>, %arg2: memref<2048x64xf32, #tpu.memory_space<vmem>>, %arg3: memref<1x2048x16xi32, #tpu.memory_space<vmem>>, %arg4: memref<64x64xf32, #tpu.memory_space<vmem>>) attributes {dimension_semantics = [#tpu.dimension_semantics<arbitrary>], iteration_bounds = array<i64: 4>, scalar_prefetch = 0 : i64, scratch_operands = 1 : i64, tpu.core_type = #tpu.core_type<tc>, window_params = [{transform_indices = @transform_0, window_bounds = array<i64: 64, 2048>}, {transform_indices = @transform_1, window_bounds = array<i64: 2048, 64>}, {transform_indices = @transform_2, window_bounds = array<i64: 1, 2048, 16>}]} {
    %eq3A = arith.constant 0 : i32
    %eq3A_0 = arith.cmpi eq, %arg0, %eq3A : i32
    %convert_element_type3A = arith.extui %eq3A_0 : i1 to i32
    %cond3A = arith.constant 0 : i32
    %cond3A_1 = arith.cmpi ne, %convert_element_type3A, %cond3A : i32
    scf.if %cond3A_1 {
      %get3A_652 = arith.constant 4 : index
      %get3A_653 = arith.constant 0 : index
      %get3A_654 = vector.load %arg2[%get3A_652, %get3A_653] : memref<2048x64xf32, #tpu.memory_space<vmem>>, vector<1x64xf32>
      %get3A_655 = vector.shape_cast %get3A_654 : vector<1x64xf32> to vector<64xf32>
      %swap3A_656 = arith.constant 0 : index
      %swap3A_657 = arith.constant 0 : index
      %swap3A_658 = vector.load %arg4[%swap3A_656, %swap3A_657] : memref<64x64xf32, #tpu.memory_space<vmem>>, vector<1x64xf32>
      %swap3A_659 = vector.shape_cast %swap3A_658 : vector<1x64xf32> to vector<64xf32>
      %swap3A_660 = vector.shape_cast %get3A_655 : vector<64xf32> to vector<1x64xf32>
      tpu.vector_store %arg4[%swap3A_656, %swap3A_657], %swap3A_660 {strides = array<i32>} : memref<64x64xf32, #tpu.memory_space<vmem>>, vector<1x64xf32>,
      %get3A_661 = arith.constant 18 : index
      %get3A_662 = arith.constant 0 : index
      %get3A_663 = vector.load %arg2[%get3A_661, %get3A_662] : memref<2048x64xf32, #tpu.memory_space<vmem>>, vector<1x64xf32>
      %get3A_664 = vector.shape_cast %get3A_663 : vector<1x64xf32> to vector<64xf32>
      %swap3A_665 = arith.constant 1 : index
      %swap3A_666 = arith.constant 0 : index
      %swap3A_667 = vector.load %arg4[%swap3A_665, %swap3A_666] : memref<64x64xf32, #tpu.memory_space<vmem>>, vector<1x64xf32>
      %swap3A_668 = vector.shape_cast %swap3A_667 : vector<1x64xf32> to vector<64xf32>
      %swap3A_669 = vector.shape_cast %get3A_664 : vector<64xf32> to vector<1x64xf32>
      tpu.vector_store %arg4[%swap3A_665, %swap3A_666], %swap3A_669 {strides = array<i32>} : memref<64x64xf32, #tpu.memory_space<vmem>>, vector<1x64xf32>,
      %get3A_670 = arith.constant 55 : index
      %get3A_671 = arith.constant 0 : index
      %get3A_672 = vector.load %arg2[%get3A_670, %get3A_671] : memref<2048x64xf32, #tpu.memory_space<vmem>>, vector<1x64xf32>
      %get3A_673 = vector.shape_cast %get3A_672 : vector<1x64xf32> to vector<64xf32>
      %swap3A_674 = arith.constant 2 : index
      %swap3A_675 = arith.constant 0 : index
      %swap3A_676 = vector.load %arg4[%swap3A_674, %swap3A_675] : memref<64x64xf32, #tpu.memory_space<vmem>>, vector<1x64xf32>
      %swap3A_677 = vector.shape_cast %swap3A_676 : vector<1x64xf32> to vector<64xf32>
      %swap3A_678 = vector.shape_cast %get3A_673 : vector<64xf32> to vector<1x64xf32>
      tpu.vector_store %arg4[%swap3A_674, %swap3A_675], %swap3A_678 {strides = array<i32>} : memref<64x64xf32, #tpu.memory_space<vmem>>, vector<1x64xf32>,
      %get3A_679 = arith.constant 1 : index
      %get3A_680 = arith.constant 0 : index
      %get3A_681 = vector.load %arg2[%get3A_679, %get3A_680] : memref<2048x64xf32, #tpu.memory_space<vmem>>, vector<1x64xf32>
      %get3A_682 = vector.shape_cast %get3A_681 : vector<1x64xf32> to vector<64xf32>
      %swap3A_683 = arith.constant 3 : index
      %swap3A_684 = arith.constant 0 : index
      %swap3A_685 = vector.load %arg4[%swap3A_683, %swap3A_684] : memref<64x64xf32, #tpu.memory_space<vmem>>, vector<1x64xf32>
      %swap3A_686 = vector.shape_cast %swap3A_685 : vector<1x64xf32> to vector<64xf32>
      %swap3A_687 = vector.shape_cast %get3A_682 : vector<64xf32> to vector<1x64xf32>
      tpu.vector_store %arg4[%swap3A_683, %swap3A_684], %swap3A_687 {strides = array<i32>} : memref<64x64xf32, #tpu.memory_space<vmem>>, vector<1x64xf32>,
      %get3A_688 = arith.constant 13 : index
      %get3A_689 = arith.constant 0 : index
      %get3A_690 = vector.load %arg2[%get3A_688, %get3A_689] : memref<2048x64xf32, #tpu.memory_space<vmem>>, vector<1x64xf32>
      %get3A_691 = vector.shape_cast %get3A_690 : vector<1x64xf32> to vector<64xf32>
      %swap3A_692 = arith.constant 4 : index
      %swap3A_693 = arith.constant 0 : index
      %swap3A_694 = vector.load %arg4[%swap3A_692, %swap3A_693] : memref<64x64xf32, #tpu.memory_space<vmem>>, vector<1x64xf32>
      %swap3A_695 = vector.shape_cast %swap3A_694 : vector<1x64xf32> to vector<64xf32>
      %swap3A_696 = vector.shape_cast %get3A_691 : vector<64xf32> to vector<1x64xf32>
      tpu.vector_store %arg4[%swap3A_692, %swap3A_693], %swap3A_696 {strides = array<i32>} : memref<64x64xf32, #tpu.memory_space<vmem>>, vector<1x64xf32>,
      %get3A_697 = arith.constant 43 : index
      %get3A_698 = arith.constant 0 : index
      %get3A_699 = vector.load %arg2[%get3A_697, %get3A_698] : memref<2048x64xf32, #tpu.memory_space<vmem>>, vector<1x64xf32>
      %get3A_700 = vector.shape_cast %get3A_699 : vector<1x64xf32> to vector<64xf32>
      %swap3A_701 = arith.constant 5 : index
      %swap3A_702 = arith.constant 0 : index
      %swap3A_703 = vector.load %arg4[%swap3A_701, %swap3A_702] : memref<64x64xf32, #tpu.memory_space<vmem>>, vector<1x64xf32>
      %swap3A_704 = vector.shape_cast %swap3A_703 : vector<1x64xf32> to vector<64xf32>
      %swap3A_705 = vector.shape_cast %get3A_700 : vector<64xf32> to vector<1x64xf32>
      tpu.vector_store %arg4[%swap3A_701, %swap3A_702], %swap3A_705 {strides = array<i32>} : memref<64x64xf32, #tpu.memory_space<vmem>>, vector<1x64xf32>,
      %get3A_706 = arith.constant 39 : index
      %get3A_707 = arith.constant 0 : index
      %get3A_708 = vector.load %arg2[%get3A_706, %get3A_707] : memref<2048x64xf32, #tpu.memory_space<vmem>>, vector<1x64xf32>
      %get3A_709 = vector.shape_cast %get3A_708 : vector<1x64xf32> to vector<64xf32>
      %swap3A_710 = arith.constant 6 : index
      %swap3A_711 = arith.constant 0 : index
      %swap3A_712 = vector.load %arg4[%swap3A_710, %swap3A_711] : memref<64x64xf32, #tpu.memory_space<vmem>>, vector<1x64xf32>
      %swap3A_713 = vector.shape_cast %swap3A_712 : vector<1x64xf32> to vector<64xf32>
      %swap3A_714 = vector.shape_cast %get3A_709 : vector<64xf32> to vector<1x64xf32>
      tpu.vector_store %arg4[%swap3A_710, %swap3A_711], %swap3A_714 {strides = array<i32>} : memref<64x64xf32, #tpu.memory_space<vmem>>, vector<1x64xf32>,
      %get3A_715 = arith.constant 6 : index
      %get3A_716 = arith.constant 0 : index
      %get3A_717 = vector.load %arg2[%get3A_715, %get3A_716] : memref<2048x64xf32, #tpu.memory_space<vmem>>, vector<1x64xf32>
      %get3A_718 = vector.shape_cast %get3A_717 : vector<1x64xf32> to vector<64xf32>
      %swap3A_719 = arith.constant 7 : index
      %swap3A_720 = arith.constant 0 : index
      %swap3A_721 = vector.load %arg4[%swap3A_719, %swap3A_720] : memref<64x64xf32, #tpu.memory_space<vmem>>, vector<1x64xf32>
      %swap3A_722 = vector.shape_cast %swap3A_721 : vector<1x64xf32> to vector<64xf32>
      %swap3A_723 = vector.shape_cast %get3A_718 : vector<64xf32> to vector<1x64xf32>
      tpu.vector_store %arg4[%swap3A_719, %swap3A_720], %swap3A_723 {strides = array<i32>} : memref<64x64xf32, #tpu.memory_space<vmem>>, vector<1x64xf32>,
      %get3A_724 = arith.constant 2 : index
      %get3A_725 = arith.constant 0 : index
      %get3A_726 = vector.load %arg2[%get3A_724, %get3A_725] : memref<2048x64xf32, #tpu.memory_space<vmem>>, vector<1x64xf32>
      %get3A_727 = vector.shape_cast %get3A_726 : vector<1x64xf32> to vector<64xf32>
      %swap3A_728 = arith.constant 8 : index
      %swap3A_729 = arith.constant 0 : index
      %swap3A_730 = vector.load %arg4[%swap3A_728, %swap3A_729] : memref<64x64xf32, #tpu.memory_space<vmem>>, vector<1x64xf32>
      %swap3A_731 = vector.shape_cast %swap3A_730 : vector<1x64xf32> to vector<64xf32>
      %swap3A_732 = vector.shape_cast %get3A_727 : vector<64xf32> to vector<1x64xf32>
      tpu.vector_store %arg4[%swap3A_728, %swap3A_729], %swap3A_732 {strides = array<i32>} : memref<64x64xf32, #tpu.memory_space<vmem>>, vector<1x64xf32>,
      %get3A_733 = arith.constant 40 : index
      %get3A_734 = arith.constant 0 : index
      %get3A_735 = vector.load %arg2[%get3A_733, %get3A_734] : memref<2048x64xf32, #tpu.memory_space<vmem>>, vector<1x64xf32>
      %get3A_736 = vector.shape_cast %get3A_735 : vector<1x64xf32> to vector<64xf32>
      %swap3A_737 = arith.constant 9 : index
      %swap3A_738 = arith.constant 0 : index
      %swap3A_739 = vector.load %arg4[%swap3A_737, %swap3A_738] : memref<64x64xf32, #tpu.memory_space<vmem>>, vector<1x64xf32>
      %swap3A_740 = vector.shape_cast %swap3A_739 : vector<1x64xf32> to vector<64xf32>
      %swap3A_741 = vector.shape_cast %get3A_736 : vector<64xf32> to vector<1x64xf32>
      tpu.vector_store %arg4[%swap3A_737, %swap3A_738], %swap3A_741 {strides = array<i32>} : memref<64x64xf32, #tpu.memory_space<vmem>>, vector<1x64xf32>,
      %get3A_742 = arith.constant 50 : index
      %get3A_743 = arith.constant 0 : index
      %get3A_744 = vector.load %arg2[%get3A_742, %get3A_743] : memref<2048x64xf32, #tpu.memory_space<vmem>>, vector<1x64xf32>
      %get3A_745 = vector.shape_cast %get3A_744 : vector<1x64xf32> to vector<64xf32>
      %swap3A_746 = arith.constant 10 : index
      %swap3A_747 = arith.constant 0 : index
      %swap3A_748 = vector.load %arg4[%swap3A_746, %swap3A_747] : memref<64x64xf32, #tpu.memory_space<vmem>>, vector<1x64xf32>
      %swap3A_749 = vector.shape_cast %swap3A_748 : vector<1x64xf32> to vector<64xf32>
      %swap3A_750 = vector.shape_cast %get3A_745 : vector<64xf32> to vector<1x64xf32>
      tpu.vector_store %arg4[%swap3A_746, %swap3A_747], %swap3A_750 {strides = array<i32>} : memref<64x64xf32, #tpu.memory_space<vmem>>, vector<1x64xf32>,
      %get3A_751 = arith.constant 25 : index
      %get3A_752 = arith.constant 0 : index
      %get3A_753 = vector.load %arg2[%get3A_751, %get3A_752] : memref<2048x64xf32, #tpu.memory_space<vmem>>, vector<1x64xf32>
      %get3A_754 = vector.shape_cast %get3A_753 : vector<1x64xf32> to vector<64xf32>
      %swap3A_755 = arith.constant 11 : index
      %swap3A_756 = arith.constant 0 : index
      %swap3A_757 = vector.load %arg4[%swap3A_755, %swap3A_756] : memref<64x64xf32, #tpu.memory_space<vmem>>, vector<1x64xf32>
      %swap3A_758 = vector.shape_cast %swap3A_757 : vector<1x64xf32> to vector<64xf32>
      %swap3A_759 = vector.shape_cast %get3A_754 : vector<64xf32> to vector<1x64xf32>
      tpu.vector_store %arg4[%swap3A_755, %swap3A_756], %swap3A_759 {strides = array<i32>} : memref<64x64xf32, #tpu.memory_space<vmem>>, vector<1x64xf32>,
      %get3A_760 = arith.constant 27 : index
      %get3A_761 = arith.constant 0 : index
      %get3A_762 = vector.load %arg2[%get3A_760, %get3A_761] : memref<2048x64xf32, #tpu.memory_space<vmem>>, vector<1x64xf32>
      %get3A_763 = vector.shape_cast %get3A_762 : vector<1x64xf32> to vector<64xf32>
      %swap3A_764 = arith.constant 12 : index
      %swap3A_765 = arith.constant 0 : index
      %swap3A_766 = vector.load %arg4[%swap3A_764, %swap3A_765] : memref<64x64xf32, #tpu.memory_space<vmem>>, vector<1x64xf32>
      %swap3A_767 = vector.shape_cast %swap3A_766 : vector<1x64xf32> to vector<64xf32>
      %swap3A_768 = vector.shape_cast %get3A_763 : vector<64xf32> to vector<1x64xf32>
      tpu.vector_store %arg4[%swap3A_764, %swap3A_765], %swap3A_768 {strides = array<i32>} : memref<64x64xf32, #tpu.memory_space<vmem>>, vector<1x64xf32>,
      %get3A_769 = arith.constant 12 : index
      %get3A_770 = arith.constant 0 : index
      %get3A_771 = vector.load %arg2[%get3A_769, %get3A_770] : memref<2048x64xf32, #tpu.memory_space<vmem>>, vector<1x64xf32>
      %get3A_772 = vector.shape_cast %get3A_771 : vector<1x64xf32> to vector<64xf32>
      %swap3A_773 = arith.constant 13 : index
      %swap3A_774 = arith.constant 0 : index
      %swap3A_775 = vector.load %arg4[%swap3A_773, %swap3A_774] : memref<64x64xf32, #tpu.memory_space<vmem>>, vector<1x64xf32>
      %swap3A_776 = vector.shape_cast %swap3A_775 : vector<1x64xf32> to vector<64xf32>
      %swap3A_777 = vector.shape_cast %get3A_772 : vector<64xf32> to vector<1x64xf32>
      tpu.vector_store %arg4[%swap3A_773, %swap3A_774], %swap3A_777 {strides = array<i32>} : memref<64x64xf32, #tpu.memory_space<vmem>>, vector<1x64xf32>,
      %get3A_778 = arith.constant 11 : index
      %get3A_779 = arith.constant 0 : index
      %get3A_780 = vector.load %arg2[%get3A_778, %get3A_779] : memref<2048x64xf32, #tpu.memory_space<vmem>>, vector<1x64xf32>
      %get3A_781 = vector.shape_cast %get3A_780 : vector<1x64xf32> to vector<64xf32>
      %swap3A_782 = arith.constant 14 : index
      %swap3A_783 = arith.constant 0 : index
      %swap3A_784 = vector.load %arg4[%swap3A_782, %swap3A_783] : memref<64x64xf32, #tpu.memory_space<vmem>>, vector<1x64xf32>
      %swap3A_785 = vector.shape_cast %swap3A_784 : vector<1x64xf32> to vector<64xf32>
      %swap3A_786 = vector.shape_cast %get3A_781 : vector<64xf32> to vector<1x64xf32>
      tpu.vector_store %arg4[%swap3A_782, %swap3A_783], %swap3A_786 {strides = array<i32>} : memref<64x64xf32, #tpu.memory_space<vmem>>, vector<1x64xf32>,
      %get3A_787 = arith.constant 3 : index
      %get3A_788 = arith.constant 0 : index
      %get3A_789 = vector.load %arg2[%get3A_787, %get3A_788] : memref<2048x64xf32, #tpu.memory_space<vmem>>, vector<1x64xf32>
      %get3A_790 = vector.shape_cast %get3A_789 : vector<1x64xf32> to vector<64xf32>
      %swap3A_791 = arith.constant 15 : index
      %swap3A_792 = arith.constant 0 : index
      %swap3A_793 = vector.load %arg4[%swap3A_791, %swap3A_792] : memref<64x64xf32, #tpu.memory_space<vmem>>, vector<1x64xf32>
      %swap3A_794 = vector.shape_cast %swap3A_793 : vector<1x64xf32> to vector<64xf32>
      %swap3A_795 = vector.shape_cast %get3A_790 : vector<64xf32> to vector<1x64xf32>
      tpu.vector_store %arg4[%swap3A_791, %swap3A_792], %swap3A_795 {strides = array<i32>} : memref<64x64xf32, #tpu.memory_space<vmem>>, vector<1x64xf32>,
      %get3A_796 = arith.constant 7 : index
      %get3A_797 = arith.constant 0 : index
      %get3A_798 = vector.load %arg2[%get3A_796, %get3A_797] : memref<2048x64xf32, #tpu.memory_space<vmem>>, vector<1x64xf32>
      %get3A_799 = vector.shape_cast %get3A_798 : vector<1x64xf32> to vector<64xf32>
      %swap3A_800 = arith.constant 16 : index
      %swap3A_801 = arith.constant 0 : index
      %swap3A_802 = vector.load %arg4[%swap3A_800, %swap3A_801] : memref<64x64xf32, #tpu.memory_space<vmem>>, vector<1x64xf32>
      %swap3A_803 = vector.shape_cast %swap3A_802 : vector<1x64xf32> to vector<64xf32>
      %swap3A_804 = vector.shape_cast %get3A_799 : vector<64xf32> to vector<1x64xf32>
      tpu.vector_store %arg4[%swap3A_800, %swap3A_801], %swap3A_804 {strides = array<i32>} : memref<64x64xf32, #tpu.memory_space<vmem>>, vector<1x64xf32>,
      %get3A_805 = arith.constant 54 : index
      %get3A_806 = arith.constant 0 : index
      %get3A_807 = vector.load %arg2[%get3A_805, %get3A_806] : memref<2048x64xf32, #tpu.memory_space<vmem>>, vector<1x64xf32>
      %get3A_808 = vector.shape_cast %get3A_807 : vector<1x64xf32> to vector<64xf32>
      %swap3A_809 = arith.constant 17 : index
      %swap3A_810 = arith.constant 0 : index
      %swap3A_811 = vector.load %arg4[%swap3A_809, %swap3A_810] : memref<64x64xf32, #tpu.memory_space<vmem>>, vector<1x64xf32>
      %swap3A_812 = vector.shape_cast %swap3A_811 : vector<1x64xf32> to vector<64xf32>
      %swap3A_813 = vector.shape_cast %get3A_808 : vector<64xf32> to vector<1x64xf32>
      tpu.vector_store %arg4[%swap3A_809, %swap3A_810], %swap3A_813 {strides = array<i32>} : memref<64x64xf32, #tpu.memory_space<vmem>>, vector<1x64xf32>,
      %get3A_814 = arith.constant 44 : index
      %get3A_815 = arith.constant 0 : index
      %get3A_816 = vector.load %arg2[%get3A_814, %get3A_815] : memref<2048x64xf32, #tpu.memory_space<vmem>>, vector<1x64xf32>
      %get3A_817 = vector.shape_cast %get3A_816 : vector<1x64xf32> to vector<64xf32>
      %swap3A_818 = arith.constant 18 : index
      %swap3A_819 = arith.constant 0 : index
      %swap3A_820 = vector.load %arg4[%swap3A_818, %swap3A_819] : memref<64x64xf32, #tpu.memory_space<vmem>>, vector<1x64xf32>
      %swap3A_821 = vector.shape_cast %swap3A_820 : vector<1x64xf32> to vector<64xf32>
      %swap3A_822 = vector.shape_cast %get3A_817 : vector<64xf32> to vector<1x64xf32>
      tpu.vector_store %arg4[%swap3A_818, %swap3A_819], %swap3A_822 {strides = array<i32>} : memref<64x64xf32, #tpu.memory_space<vmem>>, vector<1x64xf32>,
      %get3A_823 = arith.constant 17 : index
      %get3A_824 = arith.constant 0 : index
      %get3A_825 = vector.load %arg2[%get3A_823, %get3A_824] : memref<2048x64xf32, #tpu.memory_space<vmem>>, vector<1x64xf32>
      %get3A_826 = vector.shape_cast %get3A_825 : vector<1x64xf32> to vector<64xf32>
      %swap3A_827 = arith.constant 19 : index
      %swap3A_828 = arith.constant 0 : index
      %swap3A_829 = vector.load %arg4[%swap3A_827, %swap3A_828] : memref<64x64xf32, #tpu.memory_space<vmem>>, vector<1x64xf32>
      %swap3A_830 = vector.shape_cast %swap3A_829 : vector<1x64xf32> to vector<64xf32>
      %swap3A_831 = vector.shape_cast %get3A_826 : vector<64xf32> to vector<1x64xf32>
      tpu.vector_store %arg4[%swap3A_827, %swap3A_828], %swap3A_831 {strides = array<i32>} : memref<64x64xf32, #tpu.memory_space<vmem>>, vector<1x64xf32>,
      %get3A_832 = arith.constant 48 : index
      %get3A_833 = arith.constant 0 : index
      %get3A_834 = vector.load %arg2[%get3A_832, %get3A_833] : memref<2048x64xf32, #tpu.memory_space<vmem>>, vector<1x64xf32>
      %get3A_835 = vector.shape_cast %get3A_834 : vector<1x64xf32> to vector<64xf32>
      %swap3A_836 = arith.constant 20 : index
      %swap3A_837 = arith.constant 0 : index
      %swap3A_838 = vector.load %arg4[%swap3A_836, %swap3A_837] : memref<64x64xf32, #tpu.memory_space<vmem>>, vector<1x64xf32>
      %swap3A_839 = vector.shape_cast %swap3A_838 : vector<1x64xf32> to vector<64xf32>
      %swap3A_840 = vector.shape_cast %get3A_835 : vector<64xf32> to vector<1x64xf32>
      tpu.vector_store %arg4[%swap3A_836, %swap3A_837], %swap3A_840 {strides = array<i32>} : memref<64x64xf32, #tpu.memory_space<vmem>>, vector<1x64xf32>,
      %get3A_841 = arith.constant 28 : index
      %get3A_842 = arith.constant 0 : index
      %get3A_843 = vector.load %arg2[%get3A_841, %get3A_842] : memref<2048x64xf32, #tpu.memory_space<vmem>>, vector<1x64xf32>
      %get3A_844 = vector.shape_cast %get3A_843 : vector<1x64xf32> to vector<64xf32>
      %swap3A_845 = arith.constant 21 : index
      %swap3A_846 = arith.constant 0 : index
      %swap3A_847 = vector.load %arg4[%swap3A_845, %swap3A_846] : memref<64x64xf32, #tpu.memory_space<vmem>>, vector<1x64xf32>
      %swap3A_848 = vector.shape_cast %swap3A_847 : vector<1x64xf32> to vector<64xf32>
      %swap3A_849 = vector.shape_cast %get3A_844 : vector<64xf32> to vector<1x64xf32>
      tpu.vector_store %arg4[%swap3A_845, %swap3A_846], %swap3A_849 {strides = array<i32>} : memref<64x64xf32, #tpu.memory_space<vmem>>, vector<1x64xf32>,
      %get3A_850 = arith.constant 5 : index
      %get3A_851 = arith.constant 0 : index
      %get3A_852 = vector.load %arg2[%get3A_850, %get3A_851] : memref<2048x64xf32, #tpu.memory_space<vmem>>, vector<1x64xf32>
      %get3A_853 = vector.shape_cast %get3A_852 : vector<1x64xf32> to vector<64xf32>
      %swap3A_854 = arith.constant 22 : index
      %swap3A_855 = arith.constant 0 : index
      %swap3A_856 = vector.load %arg4[%swap3A_854, %swap3A_855] : memref<64x64xf32, #tpu.memory_space<vmem>>, vector<1x64xf32>
      %swap3A_857 = vector.shape_cast %swap3A_856 : vector<1x64xf32> to vector<64xf32>
      %swap3A_858 = vector.shape_cast %get3A_853 : vector<64xf32> to vector<1x64xf32>
      tpu.vector_store %arg4[%swap3A_854, %swap3A_855], %swap3A_858 {strides = array<i32>} : memref<64x64xf32, #tpu.memory_space<vmem>>, vector<1x64xf32>,
      %get3A_859 = arith.constant 36 : index
      %get3A_860 = arith.constant 0 : index
      %get3A_861 = vector.load %arg2[%get3A_859, %get3A_860] : memref<2048x64xf32, #tpu.memory_space<vmem>>, vector<1x64xf32>
      %get3A_862 = vector.shape_cast %get3A_861 : vector<1x64xf32> to vector<64xf32>
      %swap3A_863 = arith.constant 23 : index
      %swap3A_864 = arith.constant 0 : index
      %swap3A_865 = vector.load %arg4[%swap3A_863, %swap3A_864] : memref<64x64xf32, #tpu.memory_space<vmem>>, vector<1x64xf32>
      %swap3A_866 = vector.shape_cast %swap3A_865 : vector<1x64xf32> to vector<64xf32>
      %swap3A_867 = vector.shape_cast %get3A_862 : vector<64xf32> to vector<1x64xf32>
      tpu.vector_store %arg4[%swap3A_863, %swap3A_864], %swap3A_867 {strides = array<i32>} : memref<64x64xf32, #tpu.memory_space<vmem>>, vector<1x64xf32>,
      %get3A_868 = arith.constant 21 : index
      %get3A_869 = arith.constant 0 : index
      %get3A_870 = vector.load %arg2[%get3A_868, %get3A_869] : memref<2048x64xf32, #tpu.memory_space<vmem>>, vector<1x64xf32>
      %get3A_871 = vector.shape_cast %get3A_870 : vector<1x64xf32> to vector<64xf32>
      %swap3A_872 = arith.constant 24 : index
      %swap3A_873 = arith.constant 0 : index
      %swap3A_874 = vector.load %arg4[%swap3A_872, %swap3A_873] : memref<64x64xf32, #tpu.memory_space<vmem>>, vector<1x64xf32>
      %swap3A_875 = vector.shape_cast %swap3A_874 : vector<1x64xf32> to vector<64xf32>
      %swap3A_876 = vector.shape_cast %get3A_871 : vector<64xf32> to vector<1x64xf32>
      tpu.vector_store %arg4[%swap3A_872, %swap3A_873], %swap3A_876 {strides = array<i32>} : memref<64x64xf32, #tpu.memory_space<vmem>>, vector<1x64xf32>,
      %get3A_877 = arith.constant 46 : index
      %get3A_878 = arith.constant 0 : index
      %get3A_879 = vector.load %arg2[%get3A_877, %get3A_878] : memref<2048x64xf32, #tpu.memory_space<vmem>>, vector<1x64xf32>
      %get3A_880 = vector.shape_cast %get3A_879 : vector<1x64xf32> to vector<64xf32>
      %swap3A_881 = arith.constant 25 : index
      %swap3A_882 = arith.constant 0 : index
      %swap3A_883 = vector.load %arg4[%swap3A_881, %swap3A_882] : memref<64x64xf32, #tpu.memory_space<vmem>>, vector<1x64xf32>
      %swap3A_884 = vector.shape_cast %swap3A_883 : vector<1x64xf32> to vector<64xf32>
      %swap3A_885 = vector.shape_cast %get3A_880 : vector<64xf32> to vector<1x64xf32>
      tpu.vector_store %arg4[%swap3A_881, %swap3A_882], %swap3A_885 {strides = array<i32>} : memref<64x64xf32, #tpu.memory_space<vmem>>, vector<1x64xf32>,
      %get3A_886 = arith.constant 51 : index
      %get3A_887 = arith.constant 0 : index
      %get3A_888 = vector.load %arg2[%get3A_886, %get3A_887] : memref<2048x64xf32, #tpu.memory_space<vmem>>, vector<1x64xf32>
      %get3A_889 = vector.shape_cast %get3A_888 : vector<1x64xf32> to vector<64xf32>
      %swap3A_890 = arith.constant 26 : index
      %swap3A_891 = arith.constant 0 : index
      %swap3A_892 = vector.load %arg4[%swap3A_890, %swap3A_891] : memref<64x64xf32, #tpu.memory_space<vmem>>, vector<1x64xf32>
      %swap3A_893 = vector.shape_cast %swap3A_892 : vector<1x64xf32> to vector<64xf32>
      %swap3A_894 = vector.shape_cast %get3A_889 : vector<64xf32> to vector<1x64xf32>
      tpu.vector_store %arg4[%swap3A_890, %swap3A_891], %swap3A_894 {strides = array<i32>} : memref<64x64xf32, #tpu.memory_space<vmem>>, vector<1x64xf32>,
      %get3A_895 = arith.constant 20 : index
      %get3A_896 = arith.constant 0 : index
      %get3A_897 = vector.load %arg2[%get3A_895, %get3A_896] : memref<2048x64xf32, #tpu.memory_space<vmem>>, vector<1x64xf32>
      %get3A_898 = vector.shape_cast %get3A_897 : vector<1x64xf32> to vector<64xf32>
      %swap3A_899 = arith.constant 27 : index
      %swap3A_900 = arith.constant 0 : index
      %swap3A_901 = vector.load %arg4[%swap3A_899, %swap3A_900] : memref<64x64xf32, #tpu.memory_space<vmem>>, vector<1x64xf32>
      %swap3A_902 = vector.shape_cast %swap3A_901 : vector<1x64xf32> to vector<64xf32>
      %swap3A_903 = vector.shape_cast %get3A_898 : vector<64xf32> to vector<1x64xf32>
      tpu.vector_store %arg4[%swap3A_899, %swap3A_900], %swap3A_903 {strides = array<i32>} : memref<64x64xf32, #tpu.memory_space<vmem>>, vector<1x64xf32>,
      %get3A_904 = arith.constant 45 : index
      %get3A_905 = arith.constant 0 : index
      %get3A_906 = vector.load %arg2[%get3A_904, %get3A_905] : memref<2048x64xf32, #tpu.memory_space<vmem>>, vector<1x64xf32>
      %get3A_907 = vector.shape_cast %get3A_906 : vector<1x64xf32> to vector<64xf32>
      %swap3A_908 = arith.constant 28 : index
      %swap3A_909 = arith.constant 0 : index
      %swap3A_910 = vector.load %arg4[%swap3A_908, %swap3A_909] : memref<64x64xf32, #tpu.memory_space<vmem>>, vector<1x64xf32>
      %swap3A_911 = vector.shape_cast %swap3A_910 : vector<1x64xf32> to vector<64xf32>
      %swap3A_912 = vector.shape_cast %get3A_907 : vector<64xf32> to vector<1x64xf32>
      tpu.vector_store %arg4[%swap3A_908, %swap3A_909], %swap3A_912 {strides = array<i32>} : memref<64x64xf32, #tpu.memory_space<vmem>>, vector<1x64xf32>,
      %get3A_913 = arith.constant 23 : index
      %get3A_914 = arith.constant 0 : index
      %get3A_915 = vector.load %arg2[%get3A_913, %get3A_914] : memref<2048x64xf32, #tpu.memory_space<vmem>>, vector<1x64xf32>
      %get3A_916 = vector.shape_cast %get3A_915 : vector<1x64xf32> to vector<64xf32>
      %swap3A_917 = arith.constant 29 : index
      %swap3A_918 = arith.constant 0 : index
      %swap3A_919 = vector.load %arg4[%swap3A_917, %swap3A_918] : memref<64x64xf32, #tpu.memory_space<vmem>>, vector<1x64xf32>
      %swap3A_920 = vector.shape_cast %swap3A_919 : vector<1x64xf32> to vector<64xf32>
      %swap3A_921 = vector.shape_cast %get3A_916 : vector<64xf32> to vector<1x64xf32>
      tpu.vector_store %arg4[%swap3A_917, %swap3A_918], %swap3A_921 {strides = array<i32>} : memref<64x64xf32, #tpu.memory_space<vmem>>, vector<1x64xf32>,
      %get3A_922 = arith.constant 61 : index
      %get3A_923 = arith.constant 0 : index
      %get3A_924 = vector.load %arg2[%get3A_922, %get3A_923] : memref<2048x64xf32, #tpu.memory_space<vmem>>, vector<1x64xf32>
      %get3A_925 = vector.shape_cast %get3A_924 : vector<1x64xf32> to vector<64xf32>
      %swap3A_926 = arith.constant 30 : index
      %swap3A_927 = arith.constant 0 : index
      %swap3A_928 = vector.load %arg4[%swap3A_926, %swap3A_927] : memref<64x64xf32, #tpu.memory_space<vmem>>, vector<1x64xf32>
      %swap3A_929 = vector.shape_cast %swap3A_928 : vector<1x64xf32> to vector<64xf32>
      %swap3A_930 = vector.shape_cast %get3A_925 : vector<64xf32> to vector<1x64xf32>
      tpu.vector_store %arg4[%swap3A_926, %swap3A_927], %swap3A_930 {strides = array<i32>} : memref<64x64xf32, #tpu.memory_space<vmem>>, vector<1x64xf32>,
      %get3A_931 = arith.constant 57 : index
      %get3A_932 = arith.constant 0 : index
      %get3A_933 = vector.load %arg2[%get3A_931, %get3A_932] : memref<2048x64xf32, #tpu.memory_space<vmem>>, vector<1x64xf32>
      %get3A_934 = vector.shape_cast %get3A_933 : vector<1x64xf32> to vector<64xf32>
      %swap3A_935 = arith.constant 31 : index
      %swap3A_936 = arith.constant 0 : index
      %swap3A_937 = vector.load %arg4[%swap3A_935, %swap3A_936] : memref<64x64xf32, #tpu.memory_space<vmem>>, vector<1x64xf32>
      %swap3A_938 = vector.shape_cast %swap3A_937 : vector<1x64xf32> to vector<64xf32>
      %swap3A_939 = vector.shape_cast %get3A_934 : vector<64xf32> to vector<1x64xf32>
      tpu.vector_store %arg4[%swap3A_935, %swap3A_936], %swap3A_939 {strides = array<i32>} : memref<64x64xf32, #tpu.memory_space<vmem>>, vector<1x64xf32>,
      %get3A_940 = arith.constant 0 : index
      %get3A_941 = arith.constant 0 : index
      %get3A_942 = vector.load %arg2[%get3A_940, %get3A_941] : memref<2048x64xf32, #tpu.memory_space<vmem>>, vector<1x64xf32>
      %get3A_943 = vector.shape_cast %get3A_942 : vector<1x64xf32> to vector<64xf32>
      %swap3A_944 = arith.constant 32 : index
      %swap3A_945 = arith.constant 0 : index
      %swap3A_946 = vector.load %arg4[%swap3A_944, %swap3A_945] : memref<64x64xf32, #tpu.memory_space<vmem>>, vector<1x64xf32>
      %swap3A_947 = vector.shape_cast %swap3A_946 : vector<1x64xf32> to vector<64xf32>
      %swap3A_948 = vector.shape_cast %get3A_943 : vector<64xf32> to vector<1x64xf32>
      tpu.vector_store %arg4[%swap3A_944, %swap3A_945], %swap3A_948 {strides = array<i32>} : memref<64x64xf32, #tpu.memory_space<vmem>>, vector<1x64xf32>,
      %get3A_949 = arith.constant 60 : index
      %get3A_950 = arith.constant 0 : index
      %get3A_951 = vector.load %arg2[%get3A_949, %get3A_950] : memref<2048x64xf32, #tpu.memory_space<vmem>>, vector<1x64xf32>
      %get3A_952 = vector.shape_cast %get3A_951 : vector<1x64xf32> to vector<64xf32>
      %swap3A_953 = arith.constant 33 : index
      %swap3A_954 = arith.constant 0 : index
      %swap3A_955 = vector.load %arg4[%swap3A_953, %swap3A_954] : memref<64x64xf32, #tpu.memory_space<vmem>>, vector<1x64xf32>
      %swap3A_956 = vector.shape_cast %swap3A_955 : vector<1x64xf32> to vector<64xf32>
      %swap3A_957 = vector.shape_cast %get3A_952 : vector<64xf32> to vector<1x64xf32>
      tpu.vector_store %arg4[%swap3A_953, %swap3A_954], %swap3A_957 {strides = array<i32>} : memref<64x64xf32, #tpu.memory_space<vmem>>, vector<1x64xf32>,
      %get3A_958 = arith.constant 35 : index
      %get3A_959 = arith.constant 0 : index
      %get3A_960 = vector.load %arg2[%get3A_958, %get3A_959] : memref<2048x64xf32, #tpu.memory_space<vmem>>, vector<1x64xf32>
      %get3A_961 = vector.shape_cast %get3A_960 : vector<1x64xf32> to vector<64xf32>
      %swap3A_962 = arith.constant 34 : index
      %swap3A_963 = arith.constant 0 : index
      %swap3A_964 = vector.load %arg4[%swap3A_962, %swap3A_963] : memref<64x64xf32, #tpu.memory_space<vmem>>, vector<1x64xf32>
      %swap3A_965 = vector.shape_cast %swap3A_964 : vector<1x64xf32> to vector<64xf32>
      %swap3A_966 = vector.shape_cast %get3A_961 : vector<64xf32> to vector<1x64xf32>
      tpu.vector_store %arg4[%swap3A_962, %swap3A_963], %swap3A_966 {strides = array<i32>} : memref<64x64xf32, #tpu.memory_space<vmem>>, vector<1x64xf32>,
      %get3A_967 = arith.constant 56 : index
      %get3A_968 = arith.constant 0 : index
      %get3A_969 = vector.load %arg2[%get3A_967, %get3A_968] : memref<2048x64xf32, #tpu.memory_space<vmem>>, vector<1x64xf32>
      %get3A_970 = vector.shape_cast %get3A_969 : vector<1x64xf32> to vector<64xf32>
      %swap3A_971 = arith.constant 35 : index
      %swap3A_972 = arith.constant 0 : index
      %swap3A_973 = vector.load %arg4[%swap3A_971, %swap3A_972] : memref<64x64xf32, #tpu.memory_space<vmem>>, vector<1x64xf32>
      %swap3A_974 = vector.shape_cast %swap3A_973 : vector<1x64xf32> to vector<64xf32>
      %swap3A_975 = vector.shape_cast %get3A_970 : vector<64xf32> to vector<1x64xf32>
      tpu.vector_store %arg4[%swap3A_971, %swap3A_972], %swap3A_975 {strides = array<i32>} : memref<64x64xf32, #tpu.memory_space<vmem>>, vector<1x64xf32>,
      %get3A_976 = arith.constant 32 : index
      %get3A_977 = arith.constant 0 : index
      %get3A_978 = vector.load %arg2[%get3A_976, %get3A_977] : memref<2048x64xf32, #tpu.memory_space<vmem>>, vector<1x64xf32>
      %get3A_979 = vector.shape_cast %get3A_978 : vector<1x64xf32> to vector<64xf32>
      %swap3A_980 = arith.constant 36 : index
      %swap3A_981 = arith.constant 0 : index
      %swap3A_982 = vector.load %arg4[%swap3A_980, %swap3A_981] : memref<64x64xf32, #tpu.memory_space<vmem>>, vector<1x64xf32>
      %swap3A_983 = vector.shape_cast %swap3A_982 : vector<1x64xf32> to vector<64xf32>
      %swap3A_984 = vector.shape_cast %get3A_979 : vector<64xf32> to vector<1x64xf32>
      tpu.vector_store %arg4[%swap3A_980, %swap3A_981], %swap3A_984 {strides = array<i32>} : memref<64x64xf32, #tpu.memory_space<vmem>>, vector<1x64xf32>,
      %get3A_985 = arith.constant 8 : index
      %get3A_986 = arith.constant 0 : index
      %get3A_987 = vector.load %arg2[%get3A_985, %get3A_986] : memref<2048x64xf32, #tpu.memory_space<vmem>>, vector<1x64xf32>
      %get3A_988 = vector.shape_cast %get3A_987 : vector<1x64xf32> to vector<64xf32>
      %swap3A_989 = arith.constant 37 : index
      %swap3A_990 = arith.constant 0 : index
      %swap3A_991 = vector.load %arg4[%swap3A_989, %swap3A_990] : memref<64x64xf32, #tpu.memory_space<vmem>>, vector<1x64xf32>
      %swap3A_992 = vector.shape_cast %swap3A_991 : vector<1x64xf32> to vector<64xf32>
      %swap3A_993 = vector.shape_cast %get3A_988 : vector<64xf32> to vector<1x64xf32>
      tpu.vector_store %arg4[%swap3A_989, %swap3A_990], %swap3A_993 {strides = array<i32>} : memref<64x64xf32, #tpu.memory_space<vmem>>, vector<1x64xf32>,
      %get3A_994 = arith.constant 52 : index
      %get3A_995 = arith.constant 0 : index
      %get3A_996 = vector.load %arg2[%get3A_994, %get3A_995] : memref<2048x64xf32, #tpu.memory_space<vmem>>, vector<1x64xf32>
      %get3A_997 = vector.shape_cast %get3A_996 : vector<1x64xf32> to vector<64xf32>
      %swap3A_998 = arith.constant 38 : index
      %swap3A_999 = arith.constant 0 : index
      %swap3A_1000 = vector.load %arg4[%swap3A_998, %swap3A_999] : memref<64x64xf32, #tpu.memory_space<vmem>>, vector<1x64xf32>
      %swap3A_1001 = vector.shape_cast %swap3A_1000 : vector<1x64xf32> to vector<64xf32>
      %swap3A_1002 = vector.shape_cast %get3A_997 : vector<64xf32> to vector<1x64xf32>
      tpu.vector_store %arg4[%swap3A_998, %swap3A_999], %swap3A_1002 {strides = array<i32>} : memref<64x64xf32, #tpu.memory_space<vmem>>, vector<1x64xf32>,
      %get3A_1003 = arith.constant 42 : index
      %get3A_1004 = arith.constant 0 : index
      %get3A_1005 = vector.load %arg2[%get3A_1003, %get3A_1004] : memref<2048x64xf32, #tpu.memory_space<vmem>>, vector<1x64xf32>
      %get3A_1006 = vector.shape_cast %get3A_1005 : vector<1x64xf32> to vector<64xf32>
      %swap3A_1007 = arith.constant 39 : index
      %swap3A_1008 = arith.constant 0 : index
      %swap3A_1009 = vector.load %arg4[%swap3A_1007, %swap3A_1008] : memref<64x64xf32, #tpu.memory_space<vmem>>, vector<1x64xf32>
      %swap3A_1010 = vector.shape_cast %swap3A_1009 : vector<1x64xf32> to vector<64xf32>
      %swap3A_1011 = vector.shape_cast %get3A_1006 : vector<64xf32> to vector<1x64xf32>
      tpu.vector_store %arg4[%swap3A_1007, %swap3A_1008], %swap3A_1011 {strides = array<i32>} : memref<64x64xf32, #tpu.memory_space<vmem>>, vector<1x64xf32>,
      %get3A_1012 = arith.constant 49 : index
      %get3A_1013 = arith.constant 0 : index
      %get3A_1014 = vector.load %arg2[%get3A_1012, %get3A_1013] : memref<2048x64xf32, #tpu.memory_space<vmem>>, vector<1x64xf32>
      %get3A_1015 = vector.shape_cast %get3A_1014 : vector<1x64xf32> to vector<64xf32>
      %swap3A_1016 = arith.constant 40 : index
      %swap3A_1017 = arith.constant 0 : index
      %swap3A_1018 = vector.load %arg4[%swap3A_1016, %swap3A_1017] : memref<64x64xf32, #tpu.memory_space<vmem>>, vector<1x64xf32>
      %swap3A_1019 = vector.shape_cast %swap3A_1018 : vector<1x64xf32> to vector<64xf32>
      %swap3A_1020 = vector.shape_cast %get3A_1015 : vector<64xf32> to vector<1x64xf32>
      tpu.vector_store %arg4[%swap3A_1016, %swap3A_1017], %swap3A_1020 {strides = array<i32>} : memref<64x64xf32, #tpu.memory_space<vmem>>, vector<1x64xf32>,
      %get3A_1021 = arith.constant 33 : index
      %get3A_1022 = arith.constant 0 : index
      %get3A_1023 = vector.load %arg2[%get3A_1021, %get3A_1022] : memref<2048x64xf32, #tpu.memory_space<vmem>>, vector<1x64xf32>
      %get3A_1024 = vector.shape_cast %get3A_1023 : vector<1x64xf32> to vector<64xf32>
      %swap3A_1025 = arith.constant 41 : index
      %swap3A_1026 = arith.constant 0 : index
      %swap3A_1027 = vector.load %arg4[%swap3A_1025, %swap3A_1026] : memref<64x64xf32, #tpu.memory_space<vmem>>, vector<1x64xf32>
      %swap3A_1028 = vector.shape_cast %swap3A_1027 : vector<1x64xf32> to vector<64xf32>
      %swap3A_1029 = vector.shape_cast %get3A_1024 : vector<64xf32> to vector<1x64xf32>
      tpu.vector_store %arg4[%swap3A_1025, %swap3A_1026], %swap3A_1029 {strides = array<i32>} : memref<64x64xf32, #tpu.memory_space<vmem>>, vector<1x64xf32>,
      %get3A_1030 = arith.constant 16 : index
      %get3A_1031 = arith.constant 0 : index
      %get3A_1032 = vector.load %arg2[%get3A_1030, %get3A_1031] : memref<2048x64xf32, #tpu.memory_space<vmem>>, vector<1x64xf32>
      %get3A_1033 = vector.shape_cast %get3A_1032 : vector<1x64xf32> to vector<64xf32>
      %swap3A_1034 = arith.constant 42 : index
      %swap3A_1035 = arith.constant 0 : index
      %swap3A_1036 = vector.load %arg4[%swap3A_1034, %swap3A_1035] : memref<64x64xf32, #tpu.memory_space<vmem>>, vector<1x64xf32>
      %swap3A_1037 = vector.shape_cast %swap3A_1036 : vector<1x64xf32> to vector<64xf32>
      %swap3A_1038 = vector.shape_cast %get3A_1033 : vector<64xf32> to vector<1x64xf32>
      tpu.vector_store %arg4[%swap3A_1034, %swap3A_1035], %swap3A_1038 {strides = array<i32>} : memref<64x64xf32, #tpu.memory_space<vmem>>, vector<1x64xf32>,
      %get3A_1039 = arith.constant 53 : index
      %get3A_1040 = arith.constant 0 : index
      %get3A_1041 = vector.load %arg2[%get3A_1039, %get3A_1040] : memref<2048x64xf32, #tpu.memory_space<vmem>>, vector<1x64xf32>
      %get3A_1042 = vector.shape_cast %get3A_1041 : vector<1x64xf32> to vector<64xf32>
      %swap3A_1043 = arith.constant 43 : index
      %swap3A_1044 = arith.constant 0 : index
      %swap3A_1045 = vector.load %arg4[%swap3A_1043, %swap3A_1044] : memref<64x64xf32, #tpu.memory_space<vmem>>, vector<1x64xf32>
      %swap3A_1046 = vector.shape_cast %swap3A_1045 : vector<1x64xf32> to vector<64xf32>
      %swap3A_1047 = vector.shape_cast %get3A_1042 : vector<64xf32> to vector<1x64xf32>
      tpu.vector_store %arg4[%swap3A_1043, %swap3A_1044], %swap3A_1047 {strides = array<i32>} : memref<64x64xf32, #tpu.memory_space<vmem>>, vector<1x64xf32>,
      %get3A_1048 = arith.constant 24 : index
      %get3A_1049 = arith.constant 0 : index
      %get3A_1050 = vector.load %arg2[%get3A_1048, %get3A_1049] : memref<2048x64xf32, #tpu.memory_space<vmem>>, vector<1x64xf32>
      %get3A_1051 = vector.shape_cast %get3A_1050 : vector<1x64xf32> to vector<64xf32>
      %swap3A_1052 = arith.constant 44 : index
      %swap3A_1053 = arith.constant 0 : index
      %swap3A_1054 = vector.load %arg4[%swap3A_1052, %swap3A_1053] : memref<64x64xf32, #tpu.memory_space<vmem>>, vector<1x64xf32>
      %swap3A_1055 = vector.shape_cast %swap3A_1054 : vector<1x64xf32> to vector<64xf32>
      %swap3A_1056 = vector.shape_cast %get3A_1051 : vector<64xf32> to vector<1x64xf32>
      tpu.vector_store %arg4[%swap3A_1052, %swap3A_1053], %swap3A_1056 {strides = array<i32>} : memref<64x64xf32, #tpu.memory_space<vmem>>, vector<1x64xf32>,
      %get3A_1057 = arith.constant 62 : index
      %get3A_1058 = arith.constant 0 : index
      %get3A_1059 = vector.load %arg2[%get3A_1057, %get3A_1058] : memref<2048x64xf32, #tpu.memory_space<vmem>>, vector<1x64xf32>
      %get3A_1060 = vector.shape_cast %get3A_1059 : vector<1x64xf32> to vector<64xf32>
      %swap3A_1061 = arith.constant 45 : index
      %swap3A_1062 = arith.constant 0 : index
      %swap3A_1063 = vector.load %arg4[%swap3A_1061, %swap3A_1062] : memref<64x64xf32, #tpu.memory_space<vmem>>, vector<1x64xf32>
      %swap3A_1064 = vector.shape_cast %swap3A_1063 : vector<1x64xf32> to vector<64xf32>
      %swap3A_1065 = vector.shape_cast %get3A_1060 : vector<64xf32> to vector<1x64xf32>
      tpu.vector_store %arg4[%swap3A_1061, %swap3A_1062], %swap3A_1065 {strides = array<i32>} : memref<64x64xf32, #tpu.memory_space<vmem>>, vector<1x64xf32>,
      %get3A_1066 = arith.constant 31 : index
      %get3A_1067 = arith.constant 0 : index
      %get3A_1068 = vector.load %arg2[%get3A_1066, %get3A_1067] : memref<2048x64xf32, #tpu.memory_space<vmem>>, vector<1x64xf32>
      %get3A_1069 = vector.shape_cast %get3A_1068 : vector<1x64xf32> to vector<64xf32>
      %swap3A_1070 = arith.constant 46 : index
      %swap3A_1071 = arith.constant 0 : index
      %swap3A_1072 = vector.load %arg4[%swap3A_1070, %swap3A_1071] : memref<64x64xf32, #tpu.memory_space<vmem>>, vector<1x64xf32>
      %swap3A_1073 = vector.shape_cast %swap3A_1072 : vector<1x64xf32> to vector<64xf32>
      %swap3A_1074 = vector.shape_cast %get3A_1069 : vector<64xf32> to vector<1x64xf32>
      tpu.vector_store %arg4[%swap3A_1070, %swap3A_1071], %swap3A_1074 {strides = array<i32>} : memref<64x64xf32, #tpu.memory_space<vmem>>, vector<1x64xf32>,
      %get3A_1075 = arith.constant 19 : index
      %get3A_1076 = arith.constant 0 : index
      %get3A_1077 = vector.load %arg2[%get3A_1075, %get3A_1076] : memref<2048x64xf32, #tpu.memory_space<vmem>>, vector<1x64xf32>
      %get3A_1078 = vector.shape_cast %get3A_1077 : vector<1x64xf32> to vector<64xf32>
      %swap3A_1079 = arith.constant 47 : index
      %swap3A_1080 = arith.constant 0 : index
      %swap3A_1081 = vector.load %arg4[%swap3A_1079, %swap3A_1080] : memref<64x64xf32, #tpu.memory_space<vmem>>, vector<1x64xf32>
      %swap3A_1082 = vector.shape_cast %swap3A_1081 : vector<1x64xf32> to vector<64xf32>
      %swap3A_1083 = vector.shape_cast %get3A_1078 : vector<64xf32> to vector<1x64xf32>
      tpu.vector_store %arg4[%swap3A_1079, %swap3A_1080], %swap3A_1083 {strides = array<i32>} : memref<64x64xf32, #tpu.memory_space<vmem>>, vector<1x64xf32>,
      %get3A_1084 = arith.constant 58 : index
      %get3A_1085 = arith.constant 0 : index
      %get3A_1086 = vector.load %arg2[%get3A_1084, %get3A_1085] : memref<2048x64xf32, #tpu.memory_space<vmem>>, vector<1x64xf32>
      %get3A_1087 = vector.shape_cast %get3A_1086 : vector<1x64xf32> to vector<64xf32>
      %swap3A_1088 = arith.constant 48 : index
      %swap3A_1089 = arith.constant 0 : index
      %swap3A_1090 = vector.load %arg4[%swap3A_1088, %swap3A_1089] : memref<64x64xf32, #tpu.memory_space<vmem>>, vector<1x64xf32>
      %swap3A_1091 = vector.shape_cast %swap3A_1090 : vector<1x64xf32> to vector<64xf32>
      %swap3A_1092 = vector.shape_cast %get3A_1087 : vector<64xf32> to vector<1x64xf32>
      tpu.vector_store %arg4[%swap3A_1088, %swap3A_1089], %swap3A_1092 {strides = array<i32>} : memref<64x64xf32, #tpu.memory_space<vmem>>, vector<1x64xf32>,
      %get3A_1093 = arith.constant 37 : index
      %get3A_1094 = arith.constant 0 : index
      %get3A_1095 = vector.load %arg2[%get3A_1093, %get3A_1094] : memref<2048x64xf32, #tpu.memory_space<vmem>>, vector<1x64xf32>
      %get3A_1096 = vector.shape_cast %get3A_1095 : vector<1x64xf32> to vector<64xf32>
      %swap3A_1097 = arith.constant 49 : index
      %swap3A_1098 = arith.constant 0 : index
      %swap3A_1099 = vector.load %arg4[%swap3A_1097, %swap3A_1098] : memref<64x64xf32, #tpu.memory_space<vmem>>, vector<1x64xf32>
      %swap3A_1100 = vector.shape_cast %swap3A_1099 : vector<1x64xf32> to vector<64xf32>
      %swap3A_1101 = vector.shape_cast %get3A_1096 : vector<64xf32> to vector<1x64xf32>
      tpu.vector_store %arg4[%swap3A_1097, %swap3A_1098], %swap3A_1101 {strides = array<i32>} : memref<64x64xf32, #tpu.memory_space<vmem>>, vector<1x64xf32>,
      %get3A_1102 = arith.constant 63 : index
      %get3A_1103 = arith.constant 0 : index
      %get3A_1104 = vector.load %arg2[%get3A_1102, %get3A_1103] : memref<2048x64xf32, #tpu.memory_space<vmem>>, vector<1x64xf32>
      %get3A_1105 = vector.shape_cast %get3A_1104 : vector<1x64xf32> to vector<64xf32>
      %swap3A_1106 = arith.constant 50 : index
      %swap3A_1107 = arith.constant 0 : index
      %swap3A_1108 = vector.load %arg4[%swap3A_1106, %swap3A_1107] : memref<64x64xf32, #tpu.memory_space<vmem>>, vector<1x64xf32>
      %swap3A_1109 = vector.shape_cast %swap3A_1108 : vector<1x64xf32> to vector<64xf32>
      %swap3A_1110 = vector.shape_cast %get3A_1105 : vector<64xf32> to vector<1x64xf32>
      tpu.vector_store %arg4[%swap3A_1106, %swap3A_1107], %swap3A_1110 {strides = array<i32>} : memref<64x64xf32, #tpu.memory_space<vmem>>, vector<1x64xf32>,
      %get3A_1111 = arith.constant 34 : index
      %get3A_1112 = arith.constant 0 : index
      %get3A_1113 = vector.load %arg2[%get3A_1111, %get3A_1112] : memref<2048x64xf32, #tpu.memory_space<vmem>>, vector<1x64xf32>
      %get3A_1114 = vector.shape_cast %get3A_1113 : vector<1x64xf32> to vector<64xf32>
      %swap3A_1115 = arith.constant 51 : index
      %swap3A_1116 = arith.constant 0 : index
      %swap3A_1117 = vector.load %arg4[%swap3A_1115, %swap3A_1116] : memref<64x64xf32, #tpu.memory_space<vmem>>, vector<1x64xf32>
      %swap3A_1118 = vector.shape_cast %swap3A_1117 : vector<1x64xf32> to vector<64xf32>
      %swap3A_1119 = vector.shape_cast %get3A_1114 : vector<64xf32> to vector<1x64xf32>
      tpu.vector_store %arg4[%swap3A_1115, %swap3A_1116], %swap3A_1119 {strides = array<i32>} : memref<64x64xf32, #tpu.memory_space<vmem>>, vector<1x64xf32>,
      %get3A_1120 = arith.constant 59 : index
      %get3A_1121 = arith.constant 0 : index
      %get3A_1122 = vector.load %arg2[%get3A_1120, %get3A_1121] : memref<2048x64xf32, #tpu.memory_space<vmem>>, vector<1x64xf32>
      %get3A_1123 = vector.shape_cast %get3A_1122 : vector<1x64xf32> to vector<64xf32>
      %swap3A_1124 = arith.constant 52 : index
      %swap3A_1125 = arith.constant 0 : index
      %swap3A_1126 = vector.load %arg4[%swap3A_1124, %swap3A_1125] : memref<64x64xf32, #tpu.memory_space<vmem>>, vector<1x64xf32>
      %swap3A_1127 = vector.shape_cast %swap3A_1126 : vector<1x64xf32> to vector<64xf32>
      %swap3A_1128 = vector.shape_cast %get3A_1123 : vector<64xf32> to vector<1x64xf32>
      tpu.vector_store %arg4[%swap3A_1124, %swap3A_1125], %swap3A_1128 {strides = array<i32>} : memref<64x64xf32, #tpu.memory_space<vmem>>, vector<1x64xf32>,
      %get3A_1129 = arith.constant 30 : index
      %get3A_1130 = arith.constant 0 : index
      %get3A_1131 = vector.load %arg2[%get3A_1129, %get3A_1130] : memref<2048x64xf32, #tpu.memory_space<vmem>>, vector<1x64xf32>
      %get3A_1132 = vector.shape_cast %get3A_1131 : vector<1x64xf32> to vector<64xf32>
      %swap3A_1133 = arith.constant 53 : index
      %swap3A_1134 = arith.constant 0 : index
      %swap3A_1135 = vector.load %arg4[%swap3A_1133, %swap3A_1134] : memref<64x64xf32, #tpu.memory_space<vmem>>, vector<1x64xf32>
      %swap3A_1136 = vector.shape_cast %swap3A_1135 : vector<1x64xf32> to vector<64xf32>
      %swap3A_1137 = vector.shape_cast %get3A_1132 : vector<64xf32> to vector<1x64xf32>
      tpu.vector_store %arg4[%swap3A_1133, %swap3A_1134], %swap3A_1137 {strides = array<i32>} : memref<64x64xf32, #tpu.memory_space<vmem>>, vector<1x64xf32>,
      %get3A_1138 = arith.constant 14 : index
      %get3A_1139 = arith.constant 0 : index
      %get3A_1140 = vector.load %arg2[%get3A_1138, %get3A_1139] : memref<2048x64xf32, #tpu.memory_space<vmem>>, vector<1x64xf32>
      %get3A_1141 = vector.shape_cast %get3A_1140 : vector<1x64xf32> to vector<64xf32>
      %swap3A_1142 = arith.constant 54 : index
      %swap3A_1143 = arith.constant 0 : index
      %swap3A_1144 = vector.load %arg4[%swap3A_1142, %swap3A_1143] : memref<64x64xf32, #tpu.memory_space<vmem>>, vector<1x64xf32>
      %swap3A_1145 = vector.shape_cast %swap3A_1144 : vector<1x64xf32> to vector<64xf32>
      %swap3A_1146 = vector.shape_cast %get3A_1141 : vector<64xf32> to vector<1x64xf32>
      tpu.vector_store %arg4[%swap3A_1142, %swap3A_1143], %swap3A_1146 {strides = array<i32>} : memref<64x64xf32, #tpu.memory_space<vmem>>, vector<1x64xf32>,
      %get3A_1147 = arith.constant 29 : index
      %get3A_1148 = arith.constant 0 : index
      %get3A_1149 = vector.load %arg2[%get3A_1147, %get3A_1148] : memref<2048x64xf32, #tpu.memory_space<vmem>>, vector<1x64xf32>
      %get3A_1150 = vector.shape_cast %get3A_1149 : vector<1x64xf32> to vector<64xf32>
      %swap3A_1151 = arith.constant 55 : index
      %swap3A_1152 = arith.constant 0 : index
      %swap3A_1153 = vector.load %arg4[%swap3A_1151, %swap3A_1152] : memref<64x64xf32, #tpu.memory_space<vmem>>, vector<1x64xf32>
      %swap3A_1154 = vector.shape_cast %swap3A_1153 : vector<1x64xf32> to vector<64xf32>
      %swap3A_1155 = vector.shape_cast %get3A_1150 : vector<64xf32> to vector<1x64xf32>
      tpu.vector_store %arg4[%swap3A_1151, %swap3A_1152], %swap3A_1155 {strides = array<i32>} : memref<64x64xf32, #tpu.memory_space<vmem>>, vector<1x64xf32>,
      %get3A_1156 = arith.constant 47 : index
      %get3A_1157 = arith.constant 0 : index
      %get3A_1158 = vector.load %arg2[%get3A_1156, %get3A_1157] : memref<2048x64xf32, #tpu.memory_space<vmem>>, vector<1x64xf32>
      %get3A_1159 = vector.shape_cast %get3A_1158 : vector<1x64xf32> to vector<64xf32>
      %swap3A_1160 = arith.constant 56 : index
      %swap3A_1161 = arith.constant 0 : index
      %swap3A_1162 = vector.load %arg4[%swap3A_1160, %swap3A_1161] : memref<64x64xf32, #tpu.memory_space<vmem>>, vector<1x64xf32>
      %swap3A_1163 = vector.shape_cast %swap3A_1162 : vector<1x64xf32> to vector<64xf32>
      %swap3A_1164 = vector.shape_cast %get3A_1159 : vector<64xf32> to vector<1x64xf32>
      tpu.vector_store %arg4[%swap3A_1160, %swap3A_1161], %swap3A_1164 {strides = array<i32>} : memref<64x64xf32, #tpu.memory_space<vmem>>, vector<1x64xf32>,
      %get3A_1165 = arith.constant 38 : index
      %get3A_1166 = arith.constant 0 : index
      %get3A_1167 = vector.load %arg2[%get3A_1165, %get3A_1166] : memref<2048x64xf32, #tpu.memory_space<vmem>>, vector<1x64xf32>
      %get3A_1168 = vector.shape_cast %get3A_1167 : vector<1x64xf32> to vector<64xf32>
      %swap3A_1169 = arith.constant 57 : index
      %swap3A_1170 = arith.constant 0 : index
      %swap3A_1171 = vector.load %arg4[%swap3A_1169, %swap3A_1170] : memref<64x64xf32, #tpu.memory_space<vmem>>, vector<1x64xf32>
      %swap3A_1172 = vector.shape_cast %swap3A_1171 : vector<1x64xf32> to vector<64xf32>
      %swap3A_1173 = vector.shape_cast %get3A_1168 : vector<64xf32> to vector<1x64xf32>
      tpu.vector_store %arg4[%swap3A_1169, %swap3A_1170], %swap3A_1173 {strides = array<i32>} : memref<64x64xf32, #tpu.memory_space<vmem>>, vector<1x64xf32>,
      %get3A_1174 = arith.constant 26 : index
      %get3A_1175 = arith.constant 0 : index
      %get3A_1176 = vector.load %arg2[%get3A_1174, %get3A_1175] : memref<2048x64xf32, #tpu.memory_space<vmem>>, vector<1x64xf32>
      %get3A_1177 = vector.shape_cast %get3A_1176 : vector<1x64xf32> to vector<64xf32>
      %swap3A_1178 = arith.constant 58 : index
      %swap3A_1179 = arith.constant 0 : index
      %swap3A_1180 = vector.load %arg4[%swap3A_1178, %swap3A_1179] : memref<64x64xf32, #tpu.memory_space<vmem>>, vector<1x64xf32>
      %swap3A_1181 = vector.shape_cast %swap3A_1180 : vector<1x64xf32> to vector<64xf32>
      %swap3A_1182 = vector.shape_cast %get3A_1177 : vector<64xf32> to vector<1x64xf32>
      tpu.vector_store %arg4[%swap3A_1178, %swap3A_1179], %swap3A_1182 {strides = array<i32>} : memref<64x64xf32, #tpu.memory_space<vmem>>, vector<1x64xf32>,
      %get3A_1183 = arith.constant 22 : index
      %get3A_1184 = arith.constant 0 : index
      %get3A_1185 = vector.load %arg2[%get3A_1183, %get3A_1184] : memref<2048x64xf32, #tpu.memory_space<vmem>>, vector<1x64xf32>
      %get3A_1186 = vector.shape_cast %get3A_1185 : vector<1x64xf32> to vector<64xf32>
      %swap3A_1187 = arith.constant 59 : index
      %swap3A_1188 = arith.constant 0 : index
      %swap3A_1189 = vector.load %arg4[%swap3A_1187, %swap3A_1188] : memref<64x64xf32, #tpu.memory_space<vmem>>, vector<1x64xf32>
      %swap3A_1190 = vector.shape_cast %swap3A_1189 : vector<1x64xf32> to vector<64xf32>
      %swap3A_1191 = vector.shape_cast %get3A_1186 : vector<64xf32> to vector<1x64xf32>
      tpu.vector_store %arg4[%swap3A_1187, %swap3A_1188], %swap3A_1191 {strides = array<i32>} : memref<64x64xf32, #tpu.memory_space<vmem>>, vector<1x64xf32>,
      %get3A_1192 = arith.constant 15 : index
      %get3A_1193 = arith.constant 0 : index
      %get3A_1194 = vector.load %arg2[%get3A_1192, %get3A_1193] : memref<2048x64xf32, #tpu.memory_space<vmem>>, vector<1x64xf32>
      %get3A_1195 = vector.shape_cast %get3A_1194 : vector<1x64xf32> to vector<64xf32>
      %swap3A_1196 = arith.constant 60 : index
      %swap3A_1197 = arith.constant 0 : index
      %swap3A_1198 = vector.load %arg4[%swap3A_1196, %swap3A_1197] : memref<64x64xf32, #tpu.memory_space<vmem>>, vector<1x64xf32>
      %swap3A_1199 = vector.shape_cast %swap3A_1198 : vector<1x64xf32> to vector<64xf32>
      %swap3A_1200 = vector.shape_cast %get3A_1195 : vector<64xf32> to vector<1x64xf32>
      tpu.vector_store %arg4[%swap3A_1196, %swap3A_1197], %swap3A_1200 {strides = array<i32>} : memref<64x64xf32, #tpu.memory_space<vmem>>, vector<1x64xf32>,
      %get3A_1201 = arith.constant 41 : index
      %get3A_1202 = arith.constant 0 : index
      %get3A_1203 = vector.load %arg2[%get3A_1201, %get3A_1202] : memref<2048x64xf32, #tpu.memory_space<vmem>>, vector<1x64xf32>
      %get3A_1204 = vector.shape_cast %get3A_1203 : vector<1x64xf32> to vector<64xf32>
      %swap3A_1205 = arith.constant 61 : index
      %swap3A_1206 = arith.constant 0 : index
      %swap3A_1207 = vector.load %arg4[%swap3A_1205, %swap3A_1206] : memref<64x64xf32, #tpu.memory_space<vmem>>, vector<1x64xf32>
      %swap3A_1208 = vector.shape_cast %swap3A_1207 : vector<1x64xf32> to vector<64xf32>
      %swap3A_1209 = vector.shape_cast %get3A_1204 : vector<64xf32> to vector<1x64xf32>
      tpu.vector_store %arg4[%swap3A_1205, %swap3A_1206], %swap3A_1209 {strides = array<i32>} : memref<64x64xf32, #tpu.memory_space<vmem>>, vector<1x64xf32>,
      %get3A_1210 = arith.constant 9 : index
      %get3A_1211 = arith.constant 0 : index
      %get3A_1212 = vector.load %arg2[%get3A_1210, %get3A_1211] : memref<2048x64xf32, #tpu.memory_space<vmem>>, vector<1x64xf32>
      %get3A_1213 = vector.shape_cast %get3A_1212 : vector<1x64xf32> to vector<64xf32>
      %swap3A_1214 = arith.constant 62 : index
      %swap3A_1215 = arith.constant 0 : index
      %swap3A_1216 = vector.load %arg4[%swap3A_1214, %swap3A_1215] : memref<64x64xf32, #tpu.memory_space<vmem>>, vector<1x64xf32>
      %swap3A_1217 = vector.shape_cast %swap3A_1216 : vector<1x64xf32> to vector<64xf32>
      %swap3A_1218 = vector.shape_cast %get3A_1213 : vector<64xf32> to vector<1x64xf32>
      tpu.vector_store %arg4[%swap3A_1214, %swap3A_1215], %swap3A_1218 {strides = array<i32>} : memref<64x64xf32, #tpu.memory_space<vmem>>, vector<1x64xf32>,
      %get3A_1219 = arith.constant 10 : index
      %get3A_1220 = arith.constant 0 : index
      %get3A_1221 = vector.load %arg2[%get3A_1219, %get3A_1220] : memref<2048x64xf32, #tpu.memory_space<vmem>>, vector<1x64xf32>
      %get3A_1222 = vector.shape_cast %get3A_1221 : vector<1x64xf32> to vector<64xf32>
      %swap3A_1223 = arith.constant 63 : index
      %swap3A_1224 = arith.constant 0 : index
      %swap3A_1225 = vector.load %arg4[%swap3A_1223, %swap3A_1224] : memref<64x64xf32, #tpu.memory_space<vmem>>, vector<1x64xf32>
      %swap3A_1226 = vector.shape_cast %swap3A_1225 : vector<1x64xf32> to vector<64xf32>
      %swap3A_1227 = vector.shape_cast %get3A_1222 : vector<64xf32> to vector<1x64xf32>
      tpu.vector_store %arg4[%swap3A_1223, %swap3A_1224], %swap3A_1227 {strides = array<i32>} : memref<64x64xf32, #tpu.memory_space<vmem>>, vector<1x64xf32>,
    } else {
    }
    %get3A = arith.constant 0 : index
    %get3A_2 = arith.constant 0 : index
    %get3A_3 = vector.load %arg1[%get3A, %get3A_2] : memref<64x2048xf32, #tpu.memory_space<vmem>>, vector<64x2048xf32>
    %slice3A = vector.extract_strided_slice %get3A_3 {offsets = [0, 0], sizes = [1, 2048], strides = [1, 1]} : vector<64x2048xf32> to vector<1x2048xf32>
    %get3A_4 = arith.constant 0 : index
    %get3A_5 = arith.constant 0 : index
    %get3A_6 = vector.load %arg4[%get3A_4, %get3A_5] : memref<64x64xf32, #tpu.memory_space<vmem>>, vector<64x1xf32>
    %sub3A = vector.broadcast %slice3A : vector<1x2048xf32> to vector<64x2048xf32>
    %sub3A_7 = vector.broadcast %get3A_6 : vector<64x1xf32> to vector<64x2048xf32>
    %sub3A_8 = arith.subf %sub3A, %sub3A_7 : vector<64x2048xf32>
    %mul3A = arith.mulf %sub3A_8, %sub3A_8 : vector<64x2048xf32>
    %slice3A_9 = vector.extract_strided_slice %get3A_3 {offsets = [1, 0], sizes = [1, 2048], strides = [1, 1]} : vector<64x2048xf32> to vector<1x2048xf32>
    %get3A_10 = arith.constant 0 : index
    %get3A_11 = arith.constant 1 : index
    %get3A_12 = vector.load %arg4[%get3A_10, %get3A_11] : memref<64x64xf32, #tpu.memory_space<vmem>>, vector<64x1xf32>
    %sub3A_13 = vector.broadcast %slice3A_9 : vector<1x2048xf32> to vector<64x2048xf32>
    %sub3A_14 = vector.broadcast %get3A_12 : vector<64x1xf32> to vector<64x2048xf32>
    %sub3A_15 = arith.subf %sub3A_13, %sub3A_14 : vector<64x2048xf32>
    %mul3A_16 = arith.mulf %sub3A_15, %sub3A_15 : vector<64x2048xf32>
    %slice3A_17 = vector.extract_strided_slice %get3A_3 {offsets = [2, 0], sizes = [1, 2048], strides = [1, 1]} : vector<64x2048xf32> to vector<1x2048xf32>
    %get3A_18 = arith.constant 0 : index
    %get3A_19 = arith.constant 2 : index
    %get3A_20 = vector.load %arg4[%get3A_18, %get3A_19] : memref<64x64xf32, #tpu.memory_space<vmem>>, vector<64x1xf32>
    %sub3A_21 = vector.broadcast %slice3A_17 : vector<1x2048xf32> to vector<64x2048xf32>
    %sub3A_22 = vector.broadcast %get3A_20 : vector<64x1xf32> to vector<64x2048xf32>
    %sub3A_23 = arith.subf %sub3A_21, %sub3A_22 : vector<64x2048xf32>
    %mul3A_24 = arith.mulf %sub3A_23, %sub3A_23 : vector<64x2048xf32>
    %slice3A_25 = vector.extract_strided_slice %get3A_3 {offsets = [3, 0], sizes = [1, 2048], strides = [1, 1]} : vector<64x2048xf32> to vector<1x2048xf32>
    %get3A_26 = arith.constant 0 : index
    %get3A_27 = arith.constant 3 : index
    %get3A_28 = vector.load %arg4[%get3A_26, %get3A_27] : memref<64x64xf32, #tpu.memory_space<vmem>>, vector<64x1xf32>
    %sub3A_29 = vector.broadcast %slice3A_25 : vector<1x2048xf32> to vector<64x2048xf32>
    %sub3A_30 = vector.broadcast %get3A_28 : vector<64x1xf32> to vector<64x2048xf32>
    %sub3A_31 = arith.subf %sub3A_29, %sub3A_30 : vector<64x2048xf32>
    %mul3A_32 = arith.mulf %sub3A_31, %sub3A_31 : vector<64x2048xf32>
    %slice3A_33 = vector.extract_strided_slice %get3A_3 {offsets = [4, 0], sizes = [1, 2048], strides = [1, 1]} : vector<64x2048xf32> to vector<1x2048xf32>
    %get3A_34 = arith.constant 0 : index
    %get3A_35 = arith.constant 4 : index
    %get3A_36 = vector.load %arg4[%get3A_34, %get3A_35] : memref<64x64xf32, #tpu.memory_space<vmem>>, vector<64x1xf32>
    %sub3A_37 = vector.broadcast %slice3A_33 : vector<1x2048xf32> to vector<64x2048xf32>
    %sub3A_38 = vector.broadcast %get3A_36 : vector<64x1xf32> to vector<64x2048xf32>
    %sub3A_39 = arith.subf %sub3A_37, %sub3A_38 : vector<64x2048xf32>
    %mul3A_40 = arith.mulf %sub3A_39, %sub3A_39 : vector<64x2048xf32>
    %slice3A_41 = vector.extract_strided_slice %get3A_3 {offsets = [5, 0], sizes = [1, 2048], strides = [1, 1]} : vector<64x2048xf32> to vector<1x2048xf32>
    %get3A_42 = arith.constant 0 : index
    %get3A_43 = arith.constant 5 : index
    %get3A_44 = vector.load %arg4[%get3A_42, %get3A_43] : memref<64x64xf32, #tpu.memory_space<vmem>>, vector<64x1xf32>
    %sub3A_45 = vector.broadcast %slice3A_41 : vector<1x2048xf32> to vector<64x2048xf32>
    %sub3A_46 = vector.broadcast %get3A_44 : vector<64x1xf32> to vector<64x2048xf32>
    %sub3A_47 = arith.subf %sub3A_45, %sub3A_46 : vector<64x2048xf32>
    %mul3A_48 = arith.mulf %sub3A_47, %sub3A_47 : vector<64x2048xf32>
    %slice3A_49 = vector.extract_strided_slice %get3A_3 {offsets = [6, 0], sizes = [1, 2048], strides = [1, 1]} : vector<64x2048xf32> to vector<1x2048xf32>
    %get3A_50 = arith.constant 0 : index
    %get3A_51 = arith.constant 6 : index
    %get3A_52 = vector.load %arg4[%get3A_50, %get3A_51] : memref<64x64xf32, #tpu.memory_space<vmem>>, vector<64x1xf32>
    %sub3A_53 = vector.broadcast %slice3A_49 : vector<1x2048xf32> to vector<64x2048xf32>
    %sub3A_54 = vector.broadcast %get3A_52 : vector<64x1xf32> to vector<64x2048xf32>
    %sub3A_55 = arith.subf %sub3A_53, %sub3A_54 : vector<64x2048xf32>
    %mul3A_56 = arith.mulf %sub3A_55, %sub3A_55 : vector<64x2048xf32>
    %slice3A_57 = vector.extract_strided_slice %get3A_3 {offsets = [7, 0], sizes = [1, 2048], strides = [1, 1]} : vector<64x2048xf32> to vector<1x2048xf32>
    %get3A_58 = arith.constant 0 : index
    %get3A_59 = arith.constant 7 : index
    %get3A_60 = vector.load %arg4[%get3A_58, %get3A_59] : memref<64x64xf32, #tpu.memory_space<vmem>>, vector<64x1xf32>
    %sub3A_61 = vector.broadcast %slice3A_57 : vector<1x2048xf32> to vector<64x2048xf32>
    %sub3A_62 = vector.broadcast %get3A_60 : vector<64x1xf32> to vector<64x2048xf32>
    %sub3A_63 = arith.subf %sub3A_61, %sub3A_62 : vector<64x2048xf32>
    %mul3A_64 = arith.mulf %sub3A_63, %sub3A_63 : vector<64x2048xf32>
    %add3A = arith.addf %mul3A, %mul3A_40 : vector<64x2048xf32>
    %add3A_65 = arith.addf %mul3A_16, %mul3A_48 : vector<64x2048xf32>
    %add3A_66 = arith.addf %mul3A_24, %mul3A_56 : vector<64x2048xf32>
    %add3A_67 = arith.addf %mul3A_32, %mul3A_64 : vector<64x2048xf32>
    %add3A_68 = arith.addf %add3A, %add3A_66 : vector<64x2048xf32>
    %add3A_69 = arith.addf %add3A_65, %add3A_67 : vector<64x2048xf32>
    %add3A_70 = arith.addf %add3A_68, %add3A_69 : vector<64x2048xf32>
    %slice3A_71 = vector.extract_strided_slice %get3A_3 {offsets = [8, 0], sizes = [1, 2048], strides = [1, 1]} : vector<64x2048xf32> to vector<1x2048xf32>
    %get3A_72 = arith.constant 0 : index
    %get3A_73 = arith.constant 8 : index
    %get3A_74 = vector.load %arg4[%get3A_72, %get3A_73] : memref<64x64xf32, #tpu.memory_space<vmem>>, vector<64x1xf32>
    %sub3A_75 = vector.broadcast %slice3A_71 : vector<1x2048xf32> to vector<64x2048xf32>
    %sub3A_76 = vector.broadcast %get3A_74 : vector<64x1xf32> to vector<64x2048xf32>
    %sub3A_77 = arith.subf %sub3A_75, %sub3A_76 : vector<64x2048xf32>
    %mul3A_78 = arith.mulf %sub3A_77, %sub3A_77 : vector<64x2048xf32>
    %slice3A_79 = vector.extract_strided_slice %get3A_3 {offsets = [9, 0], sizes = [1, 2048], strides = [1, 1]} : vector<64x2048xf32> to vector<1x2048xf32>
    %get3A_80 = arith.constant 0 : index
    %get3A_81 = arith.constant 9 : index
    %get3A_82 = vector.load %arg4[%get3A_80, %get3A_81] : memref<64x64xf32, #tpu.memory_space<vmem>>, vector<64x1xf32>
    %sub3A_83 = vector.broadcast %slice3A_79 : vector<1x2048xf32> to vector<64x2048xf32>
    %sub3A_84 = vector.broadcast %get3A_82 : vector<64x1xf32> to vector<64x2048xf32>
    %sub3A_85 = arith.subf %sub3A_83, %sub3A_84 : vector<64x2048xf32>
    %mul3A_86 = arith.mulf %sub3A_85, %sub3A_85 : vector<64x2048xf32>
    %slice3A_87 = vector.extract_strided_slice %get3A_3 {offsets = [10, 0], sizes = [1, 2048], strides = [1, 1]} : vector<64x2048xf32> to vector<1x2048xf32>
    %get3A_88 = arith.constant 0 : index
    %get3A_89 = arith.constant 10 : index
    %get3A_90 = vector.load %arg4[%get3A_88, %get3A_89] : memref<64x64xf32, #tpu.memory_space<vmem>>, vector<64x1xf32>
    %sub3A_91 = vector.broadcast %slice3A_87 : vector<1x2048xf32> to vector<64x2048xf32>
    %sub3A_92 = vector.broadcast %get3A_90 : vector<64x1xf32> to vector<64x2048xf32>
    %sub3A_93 = arith.subf %sub3A_91, %sub3A_92 : vector<64x2048xf32>
    %mul3A_94 = arith.mulf %sub3A_93, %sub3A_93 : vector<64x2048xf32>
    %slice3A_95 = vector.extract_strided_slice %get3A_3 {offsets = [11, 0], sizes = [1, 2048], strides = [1, 1]} : vector<64x2048xf32> to vector<1x2048xf32>
    %get3A_96 = arith.constant 0 : index
    %get3A_97 = arith.constant 11 : index
    %get3A_98 = vector.load %arg4[%get3A_96, %get3A_97] : memref<64x64xf32, #tpu.memory_space<vmem>>, vector<64x1xf32>
    %sub3A_99 = vector.broadcast %slice3A_95 : vector<1x2048xf32> to vector<64x2048xf32>
    %sub3A_100 = vector.broadcast %get3A_98 : vector<64x1xf32> to vector<64x2048xf32>
    %sub3A_101 = arith.subf %sub3A_99, %sub3A_100 : vector<64x2048xf32>
    %mul3A_102 = arith.mulf %sub3A_101, %sub3A_101 : vector<64x2048xf32>
    %slice3A_103 = vector.extract_strided_slice %get3A_3 {offsets = [12, 0], sizes = [1, 2048], strides = [1, 1]} : vector<64x2048xf32> to vector<1x2048xf32>
    %get3A_104 = arith.constant 0 : index
    %get3A_105 = arith.constant 12 : index
    %get3A_106 = vector.load %arg4[%get3A_104, %get3A_105] : memref<64x64xf32, #tpu.memory_space<vmem>>, vector<64x1xf32>
    %sub3A_107 = vector.broadcast %slice3A_103 : vector<1x2048xf32> to vector<64x2048xf32>
    %sub3A_108 = vector.broadcast %get3A_106 : vector<64x1xf32> to vector<64x2048xf32>
    %sub3A_109 = arith.subf %sub3A_107, %sub3A_108 : vector<64x2048xf32>
    %mul3A_110 = arith.mulf %sub3A_109, %sub3A_109 : vector<64x2048xf32>
    %slice3A_111 = vector.extract_strided_slice %get3A_3 {offsets = [13, 0], sizes = [1, 2048], strides = [1, 1]} : vector<64x2048xf32> to vector<1x2048xf32>
    %get3A_112 = arith.constant 0 : index
    %get3A_113 = arith.constant 13 : index
    %get3A_114 = vector.load %arg4[%get3A_112, %get3A_113] : memref<64x64xf32, #tpu.memory_space<vmem>>, vector<64x1xf32>
    %sub3A_115 = vector.broadcast %slice3A_111 : vector<1x2048xf32> to vector<64x2048xf32>
    %sub3A_116 = vector.broadcast %get3A_114 : vector<64x1xf32> to vector<64x2048xf32>
    %sub3A_117 = arith.subf %sub3A_115, %sub3A_116 : vector<64x2048xf32>
    %mul3A_118 = arith.mulf %sub3A_117, %sub3A_117 : vector<64x2048xf32>
    %slice3A_119 = vector.extract_strided_slice %get3A_3 {offsets = [14, 0], sizes = [1, 2048], strides = [1, 1]} : vector<64x2048xf32> to vector<1x2048xf32>
    %get3A_120 = arith.constant 0 : index
    %get3A_121 = arith.constant 14 : index
    %get3A_122 = vector.load %arg4[%get3A_120, %get3A_121] : memref<64x64xf32, #tpu.memory_space<vmem>>, vector<64x1xf32>
    %sub3A_123 = vector.broadcast %slice3A_119 : vector<1x2048xf32> to vector<64x2048xf32>
    %sub3A_124 = vector.broadcast %get3A_122 : vector<64x1xf32> to vector<64x2048xf32>
    %sub3A_125 = arith.subf %sub3A_123, %sub3A_124 : vector<64x2048xf32>
    %mul3A_126 = arith.mulf %sub3A_125, %sub3A_125 : vector<64x2048xf32>
    %slice3A_127 = vector.extract_strided_slice %get3A_3 {offsets = [15, 0], sizes = [1, 2048], strides = [1, 1]} : vector<64x2048xf32> to vector<1x2048xf32>
    %get3A_128 = arith.constant 0 : index
    %get3A_129 = arith.constant 15 : index
    %get3A_130 = vector.load %arg4[%get3A_128, %get3A_129] : memref<64x64xf32, #tpu.memory_space<vmem>>, vector<64x1xf32>
    %sub3A_131 = vector.broadcast %slice3A_127 : vector<1x2048xf32> to vector<64x2048xf32>
    %sub3A_132 = vector.broadcast %get3A_130 : vector<64x1xf32> to vector<64x2048xf32>
    %sub3A_133 = arith.subf %sub3A_131, %sub3A_132 : vector<64x2048xf32>
    %mul3A_134 = arith.mulf %sub3A_133, %sub3A_133 : vector<64x2048xf32>
    %add3A_135 = arith.addf %mul3A_78, %mul3A_110 : vector<64x2048xf32>
    %add3A_136 = arith.addf %mul3A_86, %mul3A_118 : vector<64x2048xf32>
    %add3A_137 = arith.addf %mul3A_94, %mul3A_126 : vector<64x2048xf32>
    %add3A_138 = arith.addf %mul3A_102, %mul3A_134 : vector<64x2048xf32>
    %add3A_139 = arith.addf %add3A_135, %add3A_137 : vector<64x2048xf32>
    %add3A_140 = arith.addf %add3A_136, %add3A_138 : vector<64x2048xf32>
    %add3A_141 = arith.addf %add3A_139, %add3A_140 : vector<64x2048xf32>
    %add3A_142 = arith.addf %add3A_70, %add3A_141 : vector<64x2048xf32>
    %slice3A_143 = vector.extract_strided_slice %get3A_3 {offsets = [16, 0], sizes = [1, 2048], strides = [1, 1]} : vector<64x2048xf32> to vector<1x2048xf32>
    %get3A_144 = arith.constant 0 : index
    %get3A_145 = arith.constant 16 : index
    %get3A_146 = vector.load %arg4[%get3A_144, %get3A_145] : memref<64x64xf32, #tpu.memory_space<vmem>>, vector<64x1xf32>
    %sub3A_147 = vector.broadcast %slice3A_143 : vector<1x2048xf32> to vector<64x2048xf32>
    %sub3A_148 = vector.broadcast %get3A_146 : vector<64x1xf32> to vector<64x2048xf32>
    %sub3A_149 = arith.subf %sub3A_147, %sub3A_148 : vector<64x2048xf32>
    %mul3A_150 = arith.mulf %sub3A_149, %sub3A_149 : vector<64x2048xf32>
    %slice3A_151 = vector.extract_strided_slice %get3A_3 {offsets = [17, 0], sizes = [1, 2048], strides = [1, 1]} : vector<64x2048xf32> to vector<1x2048xf32>
    %get3A_152 = arith.constant 0 : index
    %get3A_153 = arith.constant 17 : index
    %get3A_154 = vector.load %arg4[%get3A_152, %get3A_153] : memref<64x64xf32, #tpu.memory_space<vmem>>, vector<64x1xf32>
    %sub3A_155 = vector.broadcast %slice3A_151 : vector<1x2048xf32> to vector<64x2048xf32>
    %sub3A_156 = vector.broadcast %get3A_154 : vector<64x1xf32> to vector<64x2048xf32>
    %sub3A_157 = arith.subf %sub3A_155, %sub3A_156 : vector<64x2048xf32>
    %mul3A_158 = arith.mulf %sub3A_157, %sub3A_157 : vector<64x2048xf32>
    %slice3A_159 = vector.extract_strided_slice %get3A_3 {offsets = [18, 0], sizes = [1, 2048], strides = [1, 1]} : vector<64x2048xf32> to vector<1x2048xf32>
    %get3A_160 = arith.constant 0 : index
    %get3A_161 = arith.constant 18 : index
    %get3A_162 = vector.load %arg4[%get3A_160, %get3A_161] : memref<64x64xf32, #tpu.memory_space<vmem>>, vector<64x1xf32>
    %sub3A_163 = vector.broadcast %slice3A_159 : vector<1x2048xf32> to vector<64x2048xf32>
    %sub3A_164 = vector.broadcast %get3A_162 : vector<64x1xf32> to vector<64x2048xf32>
    %sub3A_165 = arith.subf %sub3A_163, %sub3A_164 : vector<64x2048xf32>
    %mul3A_166 = arith.mulf %sub3A_165, %sub3A_165 : vector<64x2048xf32>
    %slice3A_167 = vector.extract_strided_slice %get3A_3 {offsets = [19, 0], sizes = [1, 2048], strides = [1, 1]} : vector<64x2048xf32> to vector<1x2048xf32>
    %get3A_168 = arith.constant 0 : index
    %get3A_169 = arith.constant 19 : index
    %get3A_170 = vector.load %arg4[%get3A_168, %get3A_169] : memref<64x64xf32, #tpu.memory_space<vmem>>, vector<64x1xf32>
    %sub3A_171 = vector.broadcast %slice3A_167 : vector<1x2048xf32> to vector<64x2048xf32>
    %sub3A_172 = vector.broadcast %get3A_170 : vector<64x1xf32> to vector<64x2048xf32>
    %sub3A_173 = arith.subf %sub3A_171, %sub3A_172 : vector<64x2048xf32>
    %mul3A_174 = arith.mulf %sub3A_173, %sub3A_173 : vector<64x2048xf32>
    %slice3A_175 = vector.extract_strided_slice %get3A_3 {offsets = [20, 0], sizes = [1, 2048], strides = [1, 1]} : vector<64x2048xf32> to vector<1x2048xf32>
    %get3A_176 = arith.constant 0 : index
    %get3A_177 = arith.constant 20 : index
    %get3A_178 = vector.load %arg4[%get3A_176, %get3A_177] : memref<64x64xf32, #tpu.memory_space<vmem>>, vector<64x1xf32>
    %sub3A_179 = vector.broadcast %slice3A_175 : vector<1x2048xf32> to vector<64x2048xf32>
    %sub3A_180 = vector.broadcast %get3A_178 : vector<64x1xf32> to vector<64x2048xf32>
    %sub3A_181 = arith.subf %sub3A_179, %sub3A_180 : vector<64x2048xf32>
    %mul3A_182 = arith.mulf %sub3A_181, %sub3A_181 : vector<64x2048xf32>
    %slice3A_183 = vector.extract_strided_slice %get3A_3 {offsets = [21, 0], sizes = [1, 2048], strides = [1, 1]} : vector<64x2048xf32> to vector<1x2048xf32>
    %get3A_184 = arith.constant 0 : index
    %get3A_185 = arith.constant 21 : index
    %get3A_186 = vector.load %arg4[%get3A_184, %get3A_185] : memref<64x64xf32, #tpu.memory_space<vmem>>, vector<64x1xf32>
    %sub3A_187 = vector.broadcast %slice3A_183 : vector<1x2048xf32> to vector<64x2048xf32>
    %sub3A_188 = vector.broadcast %get3A_186 : vector<64x1xf32> to vector<64x2048xf32>
    %sub3A_189 = arith.subf %sub3A_187, %sub3A_188 : vector<64x2048xf32>
    %mul3A_190 = arith.mulf %sub3A_189, %sub3A_189 : vector<64x2048xf32>
    %slice3A_191 = vector.extract_strided_slice %get3A_3 {offsets = [22, 0], sizes = [1, 2048], strides = [1, 1]} : vector<64x2048xf32> to vector<1x2048xf32>
    %get3A_192 = arith.constant 0 : index
    %get3A_193 = arith.constant 22 : index
    %get3A_194 = vector.load %arg4[%get3A_192, %get3A_193] : memref<64x64xf32, #tpu.memory_space<vmem>>, vector<64x1xf32>
    %sub3A_195 = vector.broadcast %slice3A_191 : vector<1x2048xf32> to vector<64x2048xf32>
    %sub3A_196 = vector.broadcast %get3A_194 : vector<64x1xf32> to vector<64x2048xf32>
    %sub3A_197 = arith.subf %sub3A_195, %sub3A_196 : vector<64x2048xf32>
    %mul3A_198 = arith.mulf %sub3A_197, %sub3A_197 : vector<64x2048xf32>
    %slice3A_199 = vector.extract_strided_slice %get3A_3 {offsets = [23, 0], sizes = [1, 2048], strides = [1, 1]} : vector<64x2048xf32> to vector<1x2048xf32>
    %get3A_200 = arith.constant 0 : index
    %get3A_201 = arith.constant 23 : index
    %get3A_202 = vector.load %arg4[%get3A_200, %get3A_201] : memref<64x64xf32, #tpu.memory_space<vmem>>, vector<64x1xf32>
    %sub3A_203 = vector.broadcast %slice3A_199 : vector<1x2048xf32> to vector<64x2048xf32>
    %sub3A_204 = vector.broadcast %get3A_202 : vector<64x1xf32> to vector<64x2048xf32>
    %sub3A_205 = arith.subf %sub3A_203, %sub3A_204 : vector<64x2048xf32>
    %mul3A_206 = arith.mulf %sub3A_205, %sub3A_205 : vector<64x2048xf32>
    %add3A_207 = arith.addf %mul3A_150, %mul3A_182 : vector<64x2048xf32>
    %add3A_208 = arith.addf %mul3A_158, %mul3A_190 : vector<64x2048xf32>
    %add3A_209 = arith.addf %mul3A_166, %mul3A_198 : vector<64x2048xf32>
    %add3A_210 = arith.addf %mul3A_174, %mul3A_206 : vector<64x2048xf32>
    %add3A_211 = arith.addf %add3A_207, %add3A_209 : vector<64x2048xf32>
    %add3A_212 = arith.addf %add3A_208, %add3A_210 : vector<64x2048xf32>
    %add3A_213 = arith.addf %add3A_211, %add3A_212 : vector<64x2048xf32>
    %add3A_214 = arith.addf %add3A_142, %add3A_213 : vector<64x2048xf32>
    %slice3A_215 = vector.extract_strided_slice %get3A_3 {offsets = [24, 0], sizes = [1, 2048], strides = [1, 1]} : vector<64x2048xf32> to vector<1x2048xf32>
    %get3A_216 = arith.constant 0 : index
    %get3A_217 = arith.constant 24 : index
    %get3A_218 = vector.load %arg4[%get3A_216, %get3A_217] : memref<64x64xf32, #tpu.memory_space<vmem>>, vector<64x1xf32>
    %sub3A_219 = vector.broadcast %slice3A_215 : vector<1x2048xf32> to vector<64x2048xf32>
    %sub3A_220 = vector.broadcast %get3A_218 : vector<64x1xf32> to vector<64x2048xf32>
    %sub3A_221 = arith.subf %sub3A_219, %sub3A_220 : vector<64x2048xf32>
    %mul3A_222 = arith.mulf %sub3A_221, %sub3A_221 : vector<64x2048xf32>
    %slice3A_223 = vector.extract_strided_slice %get3A_3 {offsets = [25, 0], sizes = [1, 2048], strides = [1, 1]} : vector<64x2048xf32> to vector<1x2048xf32>
    %get3A_224 = arith.constant 0 : index
    %get3A_225 = arith.constant 25 : index
    %get3A_226 = vector.load %arg4[%get3A_224, %get3A_225] : memref<64x64xf32, #tpu.memory_space<vmem>>, vector<64x1xf32>
    %sub3A_227 = vector.broadcast %slice3A_223 : vector<1x2048xf32> to vector<64x2048xf32>
    %sub3A_228 = vector.broadcast %get3A_226 : vector<64x1xf32> to vector<64x2048xf32>
    %sub3A_229 = arith.subf %sub3A_227, %sub3A_228 : vector<64x2048xf32>
    %mul3A_230 = arith.mulf %sub3A_229, %sub3A_229 : vector<64x2048xf32>
    %slice3A_231 = vector.extract_strided_slice %get3A_3 {offsets = [26, 0], sizes = [1, 2048], strides = [1, 1]} : vector<64x2048xf32> to vector<1x2048xf32>
    %get3A_232 = arith.constant 0 : index
    %get3A_233 = arith.constant 26 : index
    %get3A_234 = vector.load %arg4[%get3A_232, %get3A_233] : memref<64x64xf32, #tpu.memory_space<vmem>>, vector<64x1xf32>
    %sub3A_235 = vector.broadcast %slice3A_231 : vector<1x2048xf32> to vector<64x2048xf32>
    %sub3A_236 = vector.broadcast %get3A_234 : vector<64x1xf32> to vector<64x2048xf32>
    %sub3A_237 = arith.subf %sub3A_235, %sub3A_236 : vector<64x2048xf32>
    %mul3A_238 = arith.mulf %sub3A_237, %sub3A_237 : vector<64x2048xf32>
    %slice3A_239 = vector.extract_strided_slice %get3A_3 {offsets = [27, 0], sizes = [1, 2048], strides = [1, 1]} : vector<64x2048xf32> to vector<1x2048xf32>
    %get3A_240 = arith.constant 0 : index
    %get3A_241 = arith.constant 27 : index
    %get3A_242 = vector.load %arg4[%get3A_240, %get3A_241] : memref<64x64xf32, #tpu.memory_space<vmem>>, vector<64x1xf32>
    %sub3A_243 = vector.broadcast %slice3A_239 : vector<1x2048xf32> to vector<64x2048xf32>
    %sub3A_244 = vector.broadcast %get3A_242 : vector<64x1xf32> to vector<64x2048xf32>
    %sub3A_245 = arith.subf %sub3A_243, %sub3A_244 : vector<64x2048xf32>
    %mul3A_246 = arith.mulf %sub3A_245, %sub3A_245 : vector<64x2048xf32>
    %slice3A_247 = vector.extract_strided_slice %get3A_3 {offsets = [28, 0], sizes = [1, 2048], strides = [1, 1]} : vector<64x2048xf32> to vector<1x2048xf32>
    %get3A_248 = arith.constant 0 : index
    %get3A_249 = arith.constant 28 : index
    %get3A_250 = vector.load %arg4[%get3A_248, %get3A_249] : memref<64x64xf32, #tpu.memory_space<vmem>>, vector<64x1xf32>
    %sub3A_251 = vector.broadcast %slice3A_247 : vector<1x2048xf32> to vector<64x2048xf32>
    %sub3A_252 = vector.broadcast %get3A_250 : vector<64x1xf32> to vector<64x2048xf32>
    %sub3A_253 = arith.subf %sub3A_251, %sub3A_252 : vector<64x2048xf32>
    %mul3A_254 = arith.mulf %sub3A_253, %sub3A_253 : vector<64x2048xf32>
    %slice3A_255 = vector.extract_strided_slice %get3A_3 {offsets = [29, 0], sizes = [1, 2048], strides = [1, 1]} : vector<64x2048xf32> to vector<1x2048xf32>
    %get3A_256 = arith.constant 0 : index
    %get3A_257 = arith.constant 29 : index
    %get3A_258 = vector.load %arg4[%get3A_256, %get3A_257] : memref<64x64xf32, #tpu.memory_space<vmem>>, vector<64x1xf32>
    %sub3A_259 = vector.broadcast %slice3A_255 : vector<1x2048xf32> to vector<64x2048xf32>
    %sub3A_260 = vector.broadcast %get3A_258 : vector<64x1xf32> to vector<64x2048xf32>
    %sub3A_261 = arith.subf %sub3A_259, %sub3A_260 : vector<64x2048xf32>
    %mul3A_262 = arith.mulf %sub3A_261, %sub3A_261 : vector<64x2048xf32>
    %slice3A_263 = vector.extract_strided_slice %get3A_3 {offsets = [30, 0], sizes = [1, 2048], strides = [1, 1]} : vector<64x2048xf32> to vector<1x2048xf32>
    %get3A_264 = arith.constant 0 : index
    %get3A_265 = arith.constant 30 : index
    %get3A_266 = vector.load %arg4[%get3A_264, %get3A_265] : memref<64x64xf32, #tpu.memory_space<vmem>>, vector<64x1xf32>
    %sub3A_267 = vector.broadcast %slice3A_263 : vector<1x2048xf32> to vector<64x2048xf32>
    %sub3A_268 = vector.broadcast %get3A_266 : vector<64x1xf32> to vector<64x2048xf32>
    %sub3A_269 = arith.subf %sub3A_267, %sub3A_268 : vector<64x2048xf32>
    %mul3A_270 = arith.mulf %sub3A_269, %sub3A_269 : vector<64x2048xf32>
    %slice3A_271 = vector.extract_strided_slice %get3A_3 {offsets = [31, 0], sizes = [1, 2048], strides = [1, 1]} : vector<64x2048xf32> to vector<1x2048xf32>
    %get3A_272 = arith.constant 0 : index
    %get3A_273 = arith.constant 31 : index
    %get3A_274 = vector.load %arg4[%get3A_272, %get3A_273] : memref<64x64xf32, #tpu.memory_space<vmem>>, vector<64x1xf32>
    %sub3A_275 = vector.broadcast %slice3A_271 : vector<1x2048xf32> to vector<64x2048xf32>
    %sub3A_276 = vector.broadcast %get3A_274 : vector<64x1xf32> to vector<64x2048xf32>
    %sub3A_277 = arith.subf %sub3A_275, %sub3A_276 : vector<64x2048xf32>
    %mul3A_278 = arith.mulf %sub3A_277, %sub3A_277 : vector<64x2048xf32>
    %add3A_279 = arith.addf %mul3A_222, %mul3A_254 : vector<64x2048xf32>
    %add3A_280 = arith.addf %mul3A_230, %mul3A_262 : vector<64x2048xf32>
    %add3A_281 = arith.addf %mul3A_238, %mul3A_270 : vector<64x2048xf32>
    %add3A_282 = arith.addf %mul3A_246, %mul3A_278 : vector<64x2048xf32>
    %add3A_283 = arith.addf %add3A_279, %add3A_281 : vector<64x2048xf32>
    %add3A_284 = arith.addf %add3A_280, %add3A_282 : vector<64x2048xf32>
    %add3A_285 = arith.addf %add3A_283, %add3A_284 : vector<64x2048xf32>
    %add3A_286 = arith.addf %add3A_214, %add3A_285 : vector<64x2048xf32>
    %slice3A_287 = vector.extract_strided_slice %get3A_3 {offsets = [32, 0], sizes = [1, 2048], strides = [1, 1]} : vector<64x2048xf32> to vector<1x2048xf32>
    %get3A_288 = arith.constant 0 : index
    %get3A_289 = arith.constant 32 : index
    %get3A_290 = vector.load %arg4[%get3A_288, %get3A_289] : memref<64x64xf32, #tpu.memory_space<vmem>>, vector<64x1xf32>
    %sub3A_291 = vector.broadcast %slice3A_287 : vector<1x2048xf32> to vector<64x2048xf32>
    %sub3A_292 = vector.broadcast %get3A_290 : vector<64x1xf32> to vector<64x2048xf32>
    %sub3A_293 = arith.subf %sub3A_291, %sub3A_292 : vector<64x2048xf32>
    %mul3A_294 = arith.mulf %sub3A_293, %sub3A_293 : vector<64x2048xf32>
    %slice3A_295 = vector.extract_strided_slice %get3A_3 {offsets = [33, 0], sizes = [1, 2048], strides = [1, 1]} : vector<64x2048xf32> to vector<1x2048xf32>
    %get3A_296 = arith.constant 0 : index
    %get3A_297 = arith.constant 33 : index
    %get3A_298 = vector.load %arg4[%get3A_296, %get3A_297] : memref<64x64xf32, #tpu.memory_space<vmem>>, vector<64x1xf32>
    %sub3A_299 = vector.broadcast %slice3A_295 : vector<1x2048xf32> to vector<64x2048xf32>
    %sub3A_300 = vector.broadcast %get3A_298 : vector<64x1xf32> to vector<64x2048xf32>
    %sub3A_301 = arith.subf %sub3A_299, %sub3A_300 : vector<64x2048xf32>
    %mul3A_302 = arith.mulf %sub3A_301, %sub3A_301 : vector<64x2048xf32>
    %slice3A_303 = vector.extract_strided_slice %get3A_3 {offsets = [34, 0], sizes = [1, 2048], strides = [1, 1]} : vector<64x2048xf32> to vector<1x2048xf32>
    %get3A_304 = arith.constant 0 : index
    %get3A_305 = arith.constant 34 : index
    %get3A_306 = vector.load %arg4[%get3A_304, %get3A_305] : memref<64x64xf32, #tpu.memory_space<vmem>>, vector<64x1xf32>
    %sub3A_307 = vector.broadcast %slice3A_303 : vector<1x2048xf32> to vector<64x2048xf32>
    %sub3A_308 = vector.broadcast %get3A_306 : vector<64x1xf32> to vector<64x2048xf32>
    %sub3A_309 = arith.subf %sub3A_307, %sub3A_308 : vector<64x2048xf32>
    %mul3A_310 = arith.mulf %sub3A_309, %sub3A_309 : vector<64x2048xf32>
    %slice3A_311 = vector.extract_strided_slice %get3A_3 {offsets = [35, 0], sizes = [1, 2048], strides = [1, 1]} : vector<64x2048xf32> to vector<1x2048xf32>
    %get3A_312 = arith.constant 0 : index
    %get3A_313 = arith.constant 35 : index
    %get3A_314 = vector.load %arg4[%get3A_312, %get3A_313] : memref<64x64xf32, #tpu.memory_space<vmem>>, vector<64x1xf32>
    %sub3A_315 = vector.broadcast %slice3A_311 : vector<1x2048xf32> to vector<64x2048xf32>
    %sub3A_316 = vector.broadcast %get3A_314 : vector<64x1xf32> to vector<64x2048xf32>
    %sub3A_317 = arith.subf %sub3A_315, %sub3A_316 : vector<64x2048xf32>
    %mul3A_318 = arith.mulf %sub3A_317, %sub3A_317 : vector<64x2048xf32>
    %slice3A_319 = vector.extract_strided_slice %get3A_3 {offsets = [36, 0], sizes = [1, 2048], strides = [1, 1]} : vector<64x2048xf32> to vector<1x2048xf32>
    %get3A_320 = arith.constant 0 : index
    %get3A_321 = arith.constant 36 : index
    %get3A_322 = vector.load %arg4[%get3A_320, %get3A_321] : memref<64x64xf32, #tpu.memory_space<vmem>>, vector<64x1xf32>
    %sub3A_323 = vector.broadcast %slice3A_319 : vector<1x2048xf32> to vector<64x2048xf32>
    %sub3A_324 = vector.broadcast %get3A_322 : vector<64x1xf32> to vector<64x2048xf32>
    %sub3A_325 = arith.subf %sub3A_323, %sub3A_324 : vector<64x2048xf32>
    %mul3A_326 = arith.mulf %sub3A_325, %sub3A_325 : vector<64x2048xf32>
    %slice3A_327 = vector.extract_strided_slice %get3A_3 {offsets = [37, 0], sizes = [1, 2048], strides = [1, 1]} : vector<64x2048xf32> to vector<1x2048xf32>
    %get3A_328 = arith.constant 0 : index
    %get3A_329 = arith.constant 37 : index
    %get3A_330 = vector.load %arg4[%get3A_328, %get3A_329] : memref<64x64xf32, #tpu.memory_space<vmem>>, vector<64x1xf32>
    %sub3A_331 = vector.broadcast %slice3A_327 : vector<1x2048xf32> to vector<64x2048xf32>
    %sub3A_332 = vector.broadcast %get3A_330 : vector<64x1xf32> to vector<64x2048xf32>
    %sub3A_333 = arith.subf %sub3A_331, %sub3A_332 : vector<64x2048xf32>
    %mul3A_334 = arith.mulf %sub3A_333, %sub3A_333 : vector<64x2048xf32>
    %slice3A_335 = vector.extract_strided_slice %get3A_3 {offsets = [38, 0], sizes = [1, 2048], strides = [1, 1]} : vector<64x2048xf32> to vector<1x2048xf32>
    %get3A_336 = arith.constant 0 : index
    %get3A_337 = arith.constant 38 : index
    %get3A_338 = vector.load %arg4[%get3A_336, %get3A_337] : memref<64x64xf32, #tpu.memory_space<vmem>>, vector<64x1xf32>
    %sub3A_339 = vector.broadcast %slice3A_335 : vector<1x2048xf32> to vector<64x2048xf32>
    %sub3A_340 = vector.broadcast %get3A_338 : vector<64x1xf32> to vector<64x2048xf32>
    %sub3A_341 = arith.subf %sub3A_339, %sub3A_340 : vector<64x2048xf32>
    %mul3A_342 = arith.mulf %sub3A_341, %sub3A_341 : vector<64x2048xf32>
    %slice3A_343 = vector.extract_strided_slice %get3A_3 {offsets = [39, 0], sizes = [1, 2048], strides = [1, 1]} : vector<64x2048xf32> to vector<1x2048xf32>
    %get3A_344 = arith.constant 0 : index
    %get3A_345 = arith.constant 39 : index
    %get3A_346 = vector.load %arg4[%get3A_344, %get3A_345] : memref<64x64xf32, #tpu.memory_space<vmem>>, vector<64x1xf32>
    %sub3A_347 = vector.broadcast %slice3A_343 : vector<1x2048xf32> to vector<64x2048xf32>
    %sub3A_348 = vector.broadcast %get3A_346 : vector<64x1xf32> to vector<64x2048xf32>
    %sub3A_349 = arith.subf %sub3A_347, %sub3A_348 : vector<64x2048xf32>
    %mul3A_350 = arith.mulf %sub3A_349, %sub3A_349 : vector<64x2048xf32>
    %add3A_351 = arith.addf %mul3A_294, %mul3A_326 : vector<64x2048xf32>
    %add3A_352 = arith.addf %mul3A_302, %mul3A_334 : vector<64x2048xf32>
    %add3A_353 = arith.addf %mul3A_310, %mul3A_342 : vector<64x2048xf32>
    %add3A_354 = arith.addf %mul3A_318, %mul3A_350 : vector<64x2048xf32>
    %add3A_355 = arith.addf %add3A_351, %add3A_353 : vector<64x2048xf32>
    %add3A_356 = arith.addf %add3A_352, %add3A_354 : vector<64x2048xf32>
    %add3A_357 = arith.addf %add3A_355, %add3A_356 : vector<64x2048xf32>
    %add3A_358 = arith.addf %add3A_286, %add3A_357 : vector<64x2048xf32>
    %slice3A_359 = vector.extract_strided_slice %get3A_3 {offsets = [40, 0], sizes = [1, 2048], strides = [1, 1]} : vector<64x2048xf32> to vector<1x2048xf32>
    %get3A_360 = arith.constant 0 : index
    %get3A_361 = arith.constant 40 : index
    %get3A_362 = vector.load %arg4[%get3A_360, %get3A_361] : memref<64x64xf32, #tpu.memory_space<vmem>>, vector<64x1xf32>
    %sub3A_363 = vector.broadcast %slice3A_359 : vector<1x2048xf32> to vector<64x2048xf32>
    %sub3A_364 = vector.broadcast %get3A_362 : vector<64x1xf32> to vector<64x2048xf32>
    %sub3A_365 = arith.subf %sub3A_363, %sub3A_364 : vector<64x2048xf32>
    %mul3A_366 = arith.mulf %sub3A_365, %sub3A_365 : vector<64x2048xf32>
    %slice3A_367 = vector.extract_strided_slice %get3A_3 {offsets = [41, 0], sizes = [1, 2048], strides = [1, 1]} : vector<64x2048xf32> to vector<1x2048xf32>
    %get3A_368 = arith.constant 0 : index
    %get3A_369 = arith.constant 41 : index
    %get3A_370 = vector.load %arg4[%get3A_368, %get3A_369] : memref<64x64xf32, #tpu.memory_space<vmem>>, vector<64x1xf32>
    %sub3A_371 = vector.broadcast %slice3A_367 : vector<1x2048xf32> to vector<64x2048xf32>
    %sub3A_372 = vector.broadcast %get3A_370 : vector<64x1xf32> to vector<64x2048xf32>
    %sub3A_373 = arith.subf %sub3A_371, %sub3A_372 : vector<64x2048xf32>
    %mul3A_374 = arith.mulf %sub3A_373, %sub3A_373 : vector<64x2048xf32>
    %slice3A_375 = vector.extract_strided_slice %get3A_3 {offsets = [42, 0], sizes = [1, 2048], strides = [1, 1]} : vector<64x2048xf32> to vector<1x2048xf32>
    %get3A_376 = arith.constant 0 : index
    %get3A_377 = arith.constant 42 : index
    %get3A_378 = vector.load %arg4[%get3A_376, %get3A_377] : memref<64x64xf32, #tpu.memory_space<vmem>>, vector<64x1xf32>
    %sub3A_379 = vector.broadcast %slice3A_375 : vector<1x2048xf32> to vector<64x2048xf32>
    %sub3A_380 = vector.broadcast %get3A_378 : vector<64x1xf32> to vector<64x2048xf32>
    %sub3A_381 = arith.subf %sub3A_379, %sub3A_380 : vector<64x2048xf32>
    %mul3A_382 = arith.mulf %sub3A_381, %sub3A_381 : vector<64x2048xf32>
    %slice3A_383 = vector.extract_strided_slice %get3A_3 {offsets = [43, 0], sizes = [1, 2048], strides = [1, 1]} : vector<64x2048xf32> to vector<1x2048xf32>
    %get3A_384 = arith.constant 0 : index
    %get3A_385 = arith.constant 43 : index
    %get3A_386 = vector.load %arg4[%get3A_384, %get3A_385] : memref<64x64xf32, #tpu.memory_space<vmem>>, vector<64x1xf32>
    %sub3A_387 = vector.broadcast %slice3A_383 : vector<1x2048xf32> to vector<64x2048xf32>
    %sub3A_388 = vector.broadcast %get3A_386 : vector<64x1xf32> to vector<64x2048xf32>
    %sub3A_389 = arith.subf %sub3A_387, %sub3A_388 : vector<64x2048xf32>
    %mul3A_390 = arith.mulf %sub3A_389, %sub3A_389 : vector<64x2048xf32>
    %slice3A_391 = vector.extract_strided_slice %get3A_3 {offsets = [44, 0], sizes = [1, 2048], strides = [1, 1]} : vector<64x2048xf32> to vector<1x2048xf32>
    %get3A_392 = arith.constant 0 : index
    %get3A_393 = arith.constant 44 : index
    %get3A_394 = vector.load %arg4[%get3A_392, %get3A_393] : memref<64x64xf32, #tpu.memory_space<vmem>>, vector<64x1xf32>
    %sub3A_395 = vector.broadcast %slice3A_391 : vector<1x2048xf32> to vector<64x2048xf32>
    %sub3A_396 = vector.broadcast %get3A_394 : vector<64x1xf32> to vector<64x2048xf32>
    %sub3A_397 = arith.subf %sub3A_395, %sub3A_396 : vector<64x2048xf32>
    %mul3A_398 = arith.mulf %sub3A_397, %sub3A_397 : vector<64x2048xf32>
    %slice3A_399 = vector.extract_strided_slice %get3A_3 {offsets = [45, 0], sizes = [1, 2048], strides = [1, 1]} : vector<64x2048xf32> to vector<1x2048xf32>
    %get3A_400 = arith.constant 0 : index
    %get3A_401 = arith.constant 45 : index
    %get3A_402 = vector.load %arg4[%get3A_400, %get3A_401] : memref<64x64xf32, #tpu.memory_space<vmem>>, vector<64x1xf32>
    %sub3A_403 = vector.broadcast %slice3A_399 : vector<1x2048xf32> to vector<64x2048xf32>
    %sub3A_404 = vector.broadcast %get3A_402 : vector<64x1xf32> to vector<64x2048xf32>
    %sub3A_405 = arith.subf %sub3A_403, %sub3A_404 : vector<64x2048xf32>
    %mul3A_406 = arith.mulf %sub3A_405, %sub3A_405 : vector<64x2048xf32>
    %slice3A_407 = vector.extract_strided_slice %get3A_3 {offsets = [46, 0], sizes = [1, 2048], strides = [1, 1]} : vector<64x2048xf32> to vector<1x2048xf32>
    %get3A_408 = arith.constant 0 : index
    %get3A_409 = arith.constant 46 : index
    %get3A_410 = vector.load %arg4[%get3A_408, %get3A_409] : memref<64x64xf32, #tpu.memory_space<vmem>>, vector<64x1xf32>
    %sub3A_411 = vector.broadcast %slice3A_407 : vector<1x2048xf32> to vector<64x2048xf32>
    %sub3A_412 = vector.broadcast %get3A_410 : vector<64x1xf32> to vector<64x2048xf32>
    %sub3A_413 = arith.subf %sub3A_411, %sub3A_412 : vector<64x2048xf32>
    %mul3A_414 = arith.mulf %sub3A_413, %sub3A_413 : vector<64x2048xf32>
    %slice3A_415 = vector.extract_strided_slice %get3A_3 {offsets = [47, 0], sizes = [1, 2048], strides = [1, 1]} : vector<64x2048xf32> to vector<1x2048xf32>
    %get3A_416 = arith.constant 0 : index
    %get3A_417 = arith.constant 47 : index
    %get3A_418 = vector.load %arg4[%get3A_416, %get3A_417] : memref<64x64xf32, #tpu.memory_space<vmem>>, vector<64x1xf32>
    %sub3A_419 = vector.broadcast %slice3A_415 : vector<1x2048xf32> to vector<64x2048xf32>
    %sub3A_420 = vector.broadcast %get3A_418 : vector<64x1xf32> to vector<64x2048xf32>
    %sub3A_421 = arith.subf %sub3A_419, %sub3A_420 : vector<64x2048xf32>
    %mul3A_422 = arith.mulf %sub3A_421, %sub3A_421 : vector<64x2048xf32>
    %add3A_423 = arith.addf %mul3A_366, %mul3A_398 : vector<64x2048xf32>
    %add3A_424 = arith.addf %mul3A_374, %mul3A_406 : vector<64x2048xf32>
    %add3A_425 = arith.addf %mul3A_382, %mul3A_414 : vector<64x2048xf32>
    %add3A_426 = arith.addf %mul3A_390, %mul3A_422 : vector<64x2048xf32>
    %add3A_427 = arith.addf %add3A_423, %add3A_425 : vector<64x2048xf32>
    %add3A_428 = arith.addf %add3A_424, %add3A_426 : vector<64x2048xf32>
    %add3A_429 = arith.addf %add3A_427, %add3A_428 : vector<64x2048xf32>
    %add3A_430 = arith.addf %add3A_358, %add3A_429 : vector<64x2048xf32>
    %slice3A_431 = vector.extract_strided_slice %get3A_3 {offsets = [48, 0], sizes = [1, 2048], strides = [1, 1]} : vector<64x2048xf32> to vector<1x2048xf32>
    %get3A_432 = arith.constant 0 : index
    %get3A_433 = arith.constant 48 : index
    %get3A_434 = vector.load %arg4[%get3A_432, %get3A_433] : memref<64x64xf32, #tpu.memory_space<vmem>>, vector<64x1xf32>
    %sub3A_435 = vector.broadcast %slice3A_431 : vector<1x2048xf32> to vector<64x2048xf32>
    %sub3A_436 = vector.broadcast %get3A_434 : vector<64x1xf32> to vector<64x2048xf32>
    %sub3A_437 = arith.subf %sub3A_435, %sub3A_436 : vector<64x2048xf32>
    %mul3A_438 = arith.mulf %sub3A_437, %sub3A_437 : vector<64x2048xf32>
    %slice3A_439 = vector.extract_strided_slice %get3A_3 {offsets = [49, 0], sizes = [1, 2048], strides = [1, 1]} : vector<64x2048xf32> to vector<1x2048xf32>
    %get3A_440 = arith.constant 0 : index
    %get3A_441 = arith.constant 49 : index
    %get3A_442 = vector.load %arg4[%get3A_440, %get3A_441] : memref<64x64xf32, #tpu.memory_space<vmem>>, vector<64x1xf32>
    %sub3A_443 = vector.broadcast %slice3A_439 : vector<1x2048xf32> to vector<64x2048xf32>
    %sub3A_444 = vector.broadcast %get3A_442 : vector<64x1xf32> to vector<64x2048xf32>
    %sub3A_445 = arith.subf %sub3A_443, %sub3A_444 : vector<64x2048xf32>
    %mul3A_446 = arith.mulf %sub3A_445, %sub3A_445 : vector<64x2048xf32>
    %slice3A_447 = vector.extract_strided_slice %get3A_3 {offsets = [50, 0], sizes = [1, 2048], strides = [1, 1]} : vector<64x2048xf32> to vector<1x2048xf32>
    %get3A_448 = arith.constant 0 : index
    %get3A_449 = arith.constant 50 : index
    %get3A_450 = vector.load %arg4[%get3A_448, %get3A_449] : memref<64x64xf32, #tpu.memory_space<vmem>>, vector<64x1xf32>
    %sub3A_451 = vector.broadcast %slice3A_447 : vector<1x2048xf32> to vector<64x2048xf32>
    %sub3A_452 = vector.broadcast %get3A_450 : vector<64x1xf32> to vector<64x2048xf32>
    %sub3A_453 = arith.subf %sub3A_451, %sub3A_452 : vector<64x2048xf32>
    %mul3A_454 = arith.mulf %sub3A_453, %sub3A_453 : vector<64x2048xf32>
    %slice3A_455 = vector.extract_strided_slice %get3A_3 {offsets = [51, 0], sizes = [1, 2048], strides = [1, 1]} : vector<64x2048xf32> to vector<1x2048xf32>
    %get3A_456 = arith.constant 0 : index
    %get3A_457 = arith.constant 51 : index
    %get3A_458 = vector.load %arg4[%get3A_456, %get3A_457] : memref<64x64xf32, #tpu.memory_space<vmem>>, vector<64x1xf32>
    %sub3A_459 = vector.broadcast %slice3A_455 : vector<1x2048xf32> to vector<64x2048xf32>
    %sub3A_460 = vector.broadcast %get3A_458 : vector<64x1xf32> to vector<64x2048xf32>
    %sub3A_461 = arith.subf %sub3A_459, %sub3A_460 : vector<64x2048xf32>
    %mul3A_462 = arith.mulf %sub3A_461, %sub3A_461 : vector<64x2048xf32>
    %slice3A_463 = vector.extract_strided_slice %get3A_3 {offsets = [52, 0], sizes = [1, 2048], strides = [1, 1]} : vector<64x2048xf32> to vector<1x2048xf32>
    %get3A_464 = arith.constant 0 : index
    %get3A_465 = arith.constant 52 : index
    %get3A_466 = vector.load %arg4[%get3A_464, %get3A_465] : memref<64x64xf32, #tpu.memory_space<vmem>>, vector<64x1xf32>
    %sub3A_467 = vector.broadcast %slice3A_463 : vector<1x2048xf32> to vector<64x2048xf32>
    %sub3A_468 = vector.broadcast %get3A_466 : vector<64x1xf32> to vector<64x2048xf32>
    %sub3A_469 = arith.subf %sub3A_467, %sub3A_468 : vector<64x2048xf32>
    %mul3A_470 = arith.mulf %sub3A_469, %sub3A_469 : vector<64x2048xf32>
    %slice3A_471 = vector.extract_strided_slice %get3A_3 {offsets = [53, 0], sizes = [1, 2048], strides = [1, 1]} : vector<64x2048xf32> to vector<1x2048xf32>
    %get3A_472 = arith.constant 0 : index
    %get3A_473 = arith.constant 53 : index
    %get3A_474 = vector.load %arg4[%get3A_472, %get3A_473] : memref<64x64xf32, #tpu.memory_space<vmem>>, vector<64x1xf32>
    %sub3A_475 = vector.broadcast %slice3A_471 : vector<1x2048xf32> to vector<64x2048xf32>
    %sub3A_476 = vector.broadcast %get3A_474 : vector<64x1xf32> to vector<64x2048xf32>
    %sub3A_477 = arith.subf %sub3A_475, %sub3A_476 : vector<64x2048xf32>
    %mul3A_478 = arith.mulf %sub3A_477, %sub3A_477 : vector<64x2048xf32>
    %slice3A_479 = vector.extract_strided_slice %get3A_3 {offsets = [54, 0], sizes = [1, 2048], strides = [1, 1]} : vector<64x2048xf32> to vector<1x2048xf32>
    %get3A_480 = arith.constant 0 : index
    %get3A_481 = arith.constant 54 : index
    %get3A_482 = vector.load %arg4[%get3A_480, %get3A_481] : memref<64x64xf32, #tpu.memory_space<vmem>>, vector<64x1xf32>
    %sub3A_483 = vector.broadcast %slice3A_479 : vector<1x2048xf32> to vector<64x2048xf32>
    %sub3A_484 = vector.broadcast %get3A_482 : vector<64x1xf32> to vector<64x2048xf32>
    %sub3A_485 = arith.subf %sub3A_483, %sub3A_484 : vector<64x2048xf32>
    %mul3A_486 = arith.mulf %sub3A_485, %sub3A_485 : vector<64x2048xf32>
    %slice3A_487 = vector.extract_strided_slice %get3A_3 {offsets = [55, 0], sizes = [1, 2048], strides = [1, 1]} : vector<64x2048xf32> to vector<1x2048xf32>
    %get3A_488 = arith.constant 0 : index
    %get3A_489 = arith.constant 55 : index
    %get3A_490 = vector.load %arg4[%get3A_488, %get3A_489] : memref<64x64xf32, #tpu.memory_space<vmem>>, vector<64x1xf32>
    %sub3A_491 = vector.broadcast %slice3A_487 : vector<1x2048xf32> to vector<64x2048xf32>
    %sub3A_492 = vector.broadcast %get3A_490 : vector<64x1xf32> to vector<64x2048xf32>
    %sub3A_493 = arith.subf %sub3A_491, %sub3A_492 : vector<64x2048xf32>
    %mul3A_494 = arith.mulf %sub3A_493, %sub3A_493 : vector<64x2048xf32>
    %add3A_495 = arith.addf %mul3A_438, %mul3A_470 : vector<64x2048xf32>
    %add3A_496 = arith.addf %mul3A_446, %mul3A_478 : vector<64x2048xf32>
    %add3A_497 = arith.addf %mul3A_454, %mul3A_486 : vector<64x2048xf32>
    %add3A_498 = arith.addf %mul3A_462, %mul3A_494 : vector<64x2048xf32>
    %add3A_499 = arith.addf %add3A_495, %add3A_497 : vector<64x2048xf32>
    %add3A_500 = arith.addf %add3A_496, %add3A_498 : vector<64x2048xf32>
    %add3A_501 = arith.addf %add3A_499, %add3A_500 : vector<64x2048xf32>
    %add3A_502 = arith.addf %add3A_430, %add3A_501 : vector<64x2048xf32>
    %slice3A_503 = vector.extract_strided_slice %get3A_3 {offsets = [56, 0], sizes = [1, 2048], strides = [1, 1]} : vector<64x2048xf32> to vector<1x2048xf32>
    %get3A_504 = arith.constant 0 : index
    %get3A_505 = arith.constant 56 : index
    %get3A_506 = vector.load %arg4[%get3A_504, %get3A_505] : memref<64x64xf32, #tpu.memory_space<vmem>>, vector<64x1xf32>
    %sub3A_507 = vector.broadcast %slice3A_503 : vector<1x2048xf32> to vector<64x2048xf32>
    %sub3A_508 = vector.broadcast %get3A_506 : vector<64x1xf32> to vector<64x2048xf32>
    %sub3A_509 = arith.subf %sub3A_507, %sub3A_508 : vector<64x2048xf32>
    %mul3A_510 = arith.mulf %sub3A_509, %sub3A_509 : vector<64x2048xf32>
    %slice3A_511 = vector.extract_strided_slice %get3A_3 {offsets = [57, 0], sizes = [1, 2048], strides = [1, 1]} : vector<64x2048xf32> to vector<1x2048xf32>
    %get3A_512 = arith.constant 0 : index
    %get3A_513 = arith.constant 57 : index
    %get3A_514 = vector.load %arg4[%get3A_512, %get3A_513] : memref<64x64xf32, #tpu.memory_space<vmem>>, vector<64x1xf32>
    %sub3A_515 = vector.broadcast %slice3A_511 : vector<1x2048xf32> to vector<64x2048xf32>
    %sub3A_516 = vector.broadcast %get3A_514 : vector<64x1xf32> to vector<64x2048xf32>
    %sub3A_517 = arith.subf %sub3A_515, %sub3A_516 : vector<64x2048xf32>
    %mul3A_518 = arith.mulf %sub3A_517, %sub3A_517 : vector<64x2048xf32>
    %slice3A_519 = vector.extract_strided_slice %get3A_3 {offsets = [58, 0], sizes = [1, 2048], strides = [1, 1]} : vector<64x2048xf32> to vector<1x2048xf32>
    %get3A_520 = arith.constant 0 : index
    %get3A_521 = arith.constant 58 : index
    %get3A_522 = vector.load %arg4[%get3A_520, %get3A_521] : memref<64x64xf32, #tpu.memory_space<vmem>>, vector<64x1xf32>
    %sub3A_523 = vector.broadcast %slice3A_519 : vector<1x2048xf32> to vector<64x2048xf32>
    %sub3A_524 = vector.broadcast %get3A_522 : vector<64x1xf32> to vector<64x2048xf32>
    %sub3A_525 = arith.subf %sub3A_523, %sub3A_524 : vector<64x2048xf32>
    %mul3A_526 = arith.mulf %sub3A_525, %sub3A_525 : vector<64x2048xf32>
    %slice3A_527 = vector.extract_strided_slice %get3A_3 {offsets = [59, 0], sizes = [1, 2048], strides = [1, 1]} : vector<64x2048xf32> to vector<1x2048xf32>
    %get3A_528 = arith.constant 0 : index
    %get3A_529 = arith.constant 59 : index
    %get3A_530 = vector.load %arg4[%get3A_528, %get3A_529] : memref<64x64xf32, #tpu.memory_space<vmem>>, vector<64x1xf32>
    %sub3A_531 = vector.broadcast %slice3A_527 : vector<1x2048xf32> to vector<64x2048xf32>
    %sub3A_532 = vector.broadcast %get3A_530 : vector<64x1xf32> to vector<64x2048xf32>
    %sub3A_533 = arith.subf %sub3A_531, %sub3A_532 : vector<64x2048xf32>
    %mul3A_534 = arith.mulf %sub3A_533, %sub3A_533 : vector<64x2048xf32>
    %slice3A_535 = vector.extract_strided_slice %get3A_3 {offsets = [60, 0], sizes = [1, 2048], strides = [1, 1]} : vector<64x2048xf32> to vector<1x2048xf32>
    %get3A_536 = arith.constant 0 : index
    %get3A_537 = arith.constant 60 : index
    %get3A_538 = vector.load %arg4[%get3A_536, %get3A_537] : memref<64x64xf32, #tpu.memory_space<vmem>>, vector<64x1xf32>
    %sub3A_539 = vector.broadcast %slice3A_535 : vector<1x2048xf32> to vector<64x2048xf32>
    %sub3A_540 = vector.broadcast %get3A_538 : vector<64x1xf32> to vector<64x2048xf32>
    %sub3A_541 = arith.subf %sub3A_539, %sub3A_540 : vector<64x2048xf32>
    %mul3A_542 = arith.mulf %sub3A_541, %sub3A_541 : vector<64x2048xf32>
    %slice3A_543 = vector.extract_strided_slice %get3A_3 {offsets = [61, 0], sizes = [1, 2048], strides = [1, 1]} : vector<64x2048xf32> to vector<1x2048xf32>
    %get3A_544 = arith.constant 0 : index
    %get3A_545 = arith.constant 61 : index
    %get3A_546 = vector.load %arg4[%get3A_544, %get3A_545] : memref<64x64xf32, #tpu.memory_space<vmem>>, vector<64x1xf32>
    %sub3A_547 = vector.broadcast %slice3A_543 : vector<1x2048xf32> to vector<64x2048xf32>
    %sub3A_548 = vector.broadcast %get3A_546 : vector<64x1xf32> to vector<64x2048xf32>
    %sub3A_549 = arith.subf %sub3A_547, %sub3A_548 : vector<64x2048xf32>
    %mul3A_550 = arith.mulf %sub3A_549, %sub3A_549 : vector<64x2048xf32>
    %slice3A_551 = vector.extract_strided_slice %get3A_3 {offsets = [62, 0], sizes = [1, 2048], strides = [1, 1]} : vector<64x2048xf32> to vector<1x2048xf32>
    %get3A_552 = arith.constant 0 : index
    %get3A_553 = arith.constant 62 : index
    %get3A_554 = vector.load %arg4[%get3A_552, %get3A_553] : memref<64x64xf32, #tpu.memory_space<vmem>>, vector<64x1xf32>
    %sub3A_555 = vector.broadcast %slice3A_551 : vector<1x2048xf32> to vector<64x2048xf32>
    %sub3A_556 = vector.broadcast %get3A_554 : vector<64x1xf32> to vector<64x2048xf32>
    %sub3A_557 = arith.subf %sub3A_555, %sub3A_556 : vector<64x2048xf32>
    %mul3A_558 = arith.mulf %sub3A_557, %sub3A_557 : vector<64x2048xf32>
    %slice3A_559 = vector.extract_strided_slice %get3A_3 {offsets = [63, 0], sizes = [1, 2048], strides = [1, 1]} : vector<64x2048xf32> to vector<1x2048xf32>
    %get3A_560 = arith.constant 0 : index
    %get3A_561 = arith.constant 63 : index
    %get3A_562 = vector.load %arg4[%get3A_560, %get3A_561] : memref<64x64xf32, #tpu.memory_space<vmem>>, vector<64x1xf32>
    %sub3A_563 = vector.broadcast %slice3A_559 : vector<1x2048xf32> to vector<64x2048xf32>
    %sub3A_564 = vector.broadcast %get3A_562 : vector<64x1xf32> to vector<64x2048xf32>
    %sub3A_565 = arith.subf %sub3A_563, %sub3A_564 : vector<64x2048xf32>
    %mul3A_566 = arith.mulf %sub3A_565, %sub3A_565 : vector<64x2048xf32>
    %add3A_567 = arith.addf %mul3A_510, %mul3A_542 : vector<64x2048xf32>
    %add3A_568 = arith.addf %mul3A_518, %mul3A_550 : vector<64x2048xf32>
    %add3A_569 = arith.addf %mul3A_526, %mul3A_558 : vector<64x2048xf32>
    %add3A_570 = arith.addf %mul3A_534, %mul3A_566 : vector<64x2048xf32>
    %add3A_571 = arith.addf %add3A_567, %add3A_569 : vector<64x2048xf32>
    %add3A_572 = arith.addf %add3A_568, %add3A_570 : vector<64x2048xf32>
    %add3A_573 = arith.addf %add3A_571, %add3A_572 : vector<64x2048xf32>
    %add3A_574 = arith.addf %add3A_502, %add3A_573 : vector<64x2048xf32>
    %rsqrt3A = math.rsqrt %add3A_574 : vector<64x2048xf32>
    %mul3A_575 = arith.mulf %add3A_574, %rsqrt3A : vector<64x2048xf32>
    %iota3A = tpu.iota {dimensions = array<i32: 0>} : vector<64x2048xi32>
    %slice3A_576 = vector.extract_strided_slice %mul3A_575 {offsets = [0, 0], sizes = [32, 2048], strides = [1, 1]} : vector<64x2048xf32> to vector<32x2048xf32>
    %slice3A_577 = vector.extract_strided_slice %mul3A_575 {offsets = [32, 0], sizes = [32, 2048], strides = [1, 1]} : vector<64x2048xf32> to vector<32x2048xf32>
    %slice3A_578 = vector.extract_strided_slice %iota3A {offsets = [0, 0], sizes = [32, 2048], strides = [1, 1]} : vector<64x2048xi32> to vector<32x2048xi32>
    %slice3A_579 = vector.extract_strided_slice %iota3A {offsets = [32, 0], sizes = [32, 2048], strides = [1, 1]} : vector<64x2048xi32> to vector<32x2048xi32>
    %lt3A = arith.cmpf olt, %slice3A_577, %slice3A_576 : vector<32x2048xf32>
    %ne3A = arith.cmpf one, %slice3A_577, %slice3A_577 : vector<32x2048xf32>
    %ne3A_580 = arith.cmpf one, %slice3A_576, %slice3A_576 : vector<32x2048xf32>
    %not3A = arith.constant dense<true> : vector<32x2048xi1>
    %not3A_581 = arith.xori %ne3A_580, %not3A : vector<32x2048xi1>
    %and3A = arith.andi %ne3A, %not3A_581 : vector<32x2048xi1>
    %or3A = arith.ori %lt3A, %and3A : vector<32x2048xi1>
    %select_n3A = arith.select %or3A, %slice3A_577, %slice3A_576 : vector<32x2048xi1>, vector<32x2048xf32>
    %select_n3A_582 = arith.select %or3A, %slice3A_579, %slice3A_578 : vector<32x2048xi1>, vector<32x2048xi32>
    %slice3A_583 = vector.extract_strided_slice %select_n3A {offsets = [0, 0], sizes = [16, 2048], strides = [1, 1]} : vector<32x2048xf32> to vector<16x2048xf32>
    %slice3A_584 = vector.extract_strided_slice %select_n3A {offsets = [16, 0], sizes = [16, 2048], strides = [1, 1]} : vector<32x2048xf32> to vector<16x2048xf32>
    %slice3A_585 = vector.extract_strided_slice %select_n3A_582 {offsets = [0, 0], sizes = [16, 2048], strides = [1, 1]} : vector<32x2048xi32> to vector<16x2048xi32>
    %slice3A_586 = vector.extract_strided_slice %select_n3A_582 {offsets = [16, 0], sizes = [16, 2048], strides = [1, 1]} : vector<32x2048xi32> to vector<16x2048xi32>
    %lt3A_587 = arith.cmpf olt, %slice3A_584, %slice3A_583 : vector<16x2048xf32>
    %ne3A_588 = arith.cmpf one, %slice3A_584, %slice3A_584 : vector<16x2048xf32>
    %ne3A_589 = arith.cmpf one, %slice3A_583, %slice3A_583 : vector<16x2048xf32>
    %not3A_590 = arith.constant dense<true> : vector<16x2048xi1>
    %not3A_591 = arith.xori %ne3A_589, %not3A_590 : vector<16x2048xi1>
    %and3A_592 = arith.andi %ne3A_588, %not3A_591 : vector<16x2048xi1>
    %or3A_593 = arith.ori %lt3A_587, %and3A_592 : vector<16x2048xi1>
    %select_n3A_594 = arith.select %or3A_593, %slice3A_584, %slice3A_583 : vector<16x2048xi1>, vector<16x2048xf32>
    %select_n3A_595 = arith.select %or3A_593, %slice3A_586, %slice3A_585 : vector<16x2048xi1>, vector<16x2048xi32>
    %slice3A_596 = vector.extract_strided_slice %select_n3A_594 {offsets = [0, 0], sizes = [8, 2048], strides = [1, 1]} : vector<16x2048xf32> to vector<8x2048xf32>
    %slice3A_597 = vector.extract_strided_slice %select_n3A_594 {offsets = [8, 0], sizes = [8, 2048], strides = [1, 1]} : vector<16x2048xf32> to vector<8x2048xf32>
    %slice3A_598 = vector.extract_strided_slice %select_n3A_595 {offsets = [0, 0], sizes = [8, 2048], strides = [1, 1]} : vector<16x2048xi32> to vector<8x2048xi32>
    %slice3A_599 = vector.extract_strided_slice %select_n3A_595 {offsets = [8, 0], sizes = [8, 2048], strides = [1, 1]} : vector<16x2048xi32> to vector<8x2048xi32>
    %lt3A_600 = arith.cmpf olt, %slice3A_597, %slice3A_596 : vector<8x2048xf32>
    %ne3A_601 = arith.cmpf one, %slice3A_597, %slice3A_597 : vector<8x2048xf32>
    %ne3A_602 = arith.cmpf one, %slice3A_596, %slice3A_596 : vector<8x2048xf32>
    %not3A_603 = arith.constant dense<true> : vector<8x2048xi1>
    %not3A_604 = arith.xori %ne3A_602, %not3A_603 : vector<8x2048xi1>
    %and3A_605 = arith.andi %ne3A_601, %not3A_604 : vector<8x2048xi1>
    %or3A_606 = arith.ori %lt3A_600, %and3A_605 : vector<8x2048xi1>
    %select_n3A_607 = arith.select %or3A_606, %slice3A_597, %slice3A_596 : vector<8x2048xi1>, vector<8x2048xf32>
    %select_n3A_608 = arith.select %or3A_606, %slice3A_599, %slice3A_598 : vector<8x2048xi1>, vector<8x2048xi32>
    %slice3A_609 = vector.extract_strided_slice %select_n3A_607 {offsets = [0, 0], sizes = [4, 2048], strides = [1, 1]} : vector<8x2048xf32> to vector<4x2048xf32>
    %slice3A_610 = vector.extract_strided_slice %select_n3A_607 {offsets = [4, 0], sizes = [4, 2048], strides = [1, 1]} : vector<8x2048xf32> to vector<4x2048xf32>
    %slice3A_611 = vector.extract_strided_slice %select_n3A_608 {offsets = [0, 0], sizes = [4, 2048], strides = [1, 1]} : vector<8x2048xi32> to vector<4x2048xi32>
    %slice3A_612 = vector.extract_strided_slice %select_n3A_608 {offsets = [4, 0], sizes = [4, 2048], strides = [1, 1]} : vector<8x2048xi32> to vector<4x2048xi32>
    %lt3A_613 = arith.cmpf olt, %slice3A_610, %slice3A_609 : vector<4x2048xf32>
    %ne3A_614 = arith.cmpf one, %slice3A_610, %slice3A_610 : vector<4x2048xf32>
    %ne3A_615 = arith.cmpf one, %slice3A_609, %slice3A_609 : vector<4x2048xf32>
    %not3A_616 = arith.constant dense<true> : vector<4x2048xi1>
    %not3A_617 = arith.xori %ne3A_615, %not3A_616 : vector<4x2048xi1>
    %and3A_618 = arith.andi %ne3A_614, %not3A_617 : vector<4x2048xi1>
    %or3A_619 = arith.ori %lt3A_613, %and3A_618 : vector<4x2048xi1>
    %select_n3A_620 = arith.select %or3A_619, %slice3A_610, %slice3A_609 : vector<4x2048xi1>, vector<4x2048xf32>
    %select_n3A_621 = arith.select %or3A_619, %slice3A_612, %slice3A_611 : vector<4x2048xi1>, vector<4x2048xi32>
    %slice3A_622 = vector.extract_strided_slice %select_n3A_620 {offsets = [0, 0], sizes = [2, 2048], strides = [1, 1]} : vector<4x2048xf32> to vector<2x2048xf32>
    %slice3A_623 = vector.extract_strided_slice %select_n3A_620 {offsets = [2, 0], sizes = [2, 2048], strides = [1, 1]} : vector<4x2048xf32> to vector<2x2048xf32>
    %slice3A_624 = vector.extract_strided_slice %select_n3A_621 {offsets = [0, 0], sizes = [2, 2048], strides = [1, 1]} : vector<4x2048xi32> to vector<2x2048xi32>
    %slice3A_625 = vector.extract_strided_slice %select_n3A_621 {offsets = [2, 0], sizes = [2, 2048], strides = [1, 1]} : vector<4x2048xi32> to vector<2x2048xi32>
    %lt3A_626 = arith.cmpf olt, %slice3A_623, %slice3A_622 : vector<2x2048xf32>
    %ne3A_627 = arith.cmpf one, %slice3A_623, %slice3A_623 : vector<2x2048xf32>
    %ne3A_628 = arith.cmpf one, %slice3A_622, %slice3A_622 : vector<2x2048xf32>
    %not3A_629 = arith.constant dense<true> : vector<2x2048xi1>
    %not3A_630 = arith.xori %ne3A_628, %not3A_629 : vector<2x2048xi1>
    %and3A_631 = arith.andi %ne3A_627, %not3A_630 : vector<2x2048xi1>
    %or3A_632 = arith.ori %lt3A_626, %and3A_631 : vector<2x2048xi1>
    %select_n3A_633 = arith.select %or3A_632, %slice3A_623, %slice3A_622 : vector<2x2048xi1>, vector<2x2048xf32>
    %select_n3A_634 = arith.select %or3A_632, %slice3A_625, %slice3A_624 : vector<2x2048xi1>, vector<2x2048xi32>
    %slice3A_635 = vector.extract_strided_slice %select_n3A_633 {offsets = [0, 0], sizes = [1, 2048], strides = [1, 1]} : vector<2x2048xf32> to vector<1x2048xf32>
    %slice3A_636 = vector.extract_strided_slice %select_n3A_633 {offsets = [1, 0], sizes = [1, 2048], strides = [1, 1]} : vector<2x2048xf32> to vector<1x2048xf32>
    %slice3A_637 = vector.extract_strided_slice %select_n3A_634 {offsets = [0, 0], sizes = [1, 2048], strides = [1, 1]} : vector<2x2048xi32> to vector<1x2048xi32>
    %slice3A_638 = vector.extract_strided_slice %select_n3A_634 {offsets = [1, 0], sizes = [1, 2048], strides = [1, 1]} : vector<2x2048xi32> to vector<1x2048xi32>
    %lt3A_639 = arith.cmpf olt, %slice3A_636, %slice3A_635 : vector<1x2048xf32>
    %ne3A_640 = arith.cmpf one, %slice3A_636, %slice3A_636 : vector<1x2048xf32>
    %ne3A_641 = arith.cmpf one, %slice3A_635, %slice3A_635 : vector<1x2048xf32>
    %not3A_642 = arith.constant dense<true> : vector<1x2048xi1>
    %not3A_643 = arith.xori %ne3A_641, %not3A_642 : vector<1x2048xi1>
    %and3A_644 = arith.andi %ne3A_640, %not3A_643 : vector<1x2048xi1>
    %or3A_645 = arith.ori %lt3A_639, %and3A_644 : vector<1x2048xi1>
    %select_n3A_646 = arith.select %or3A_645, %slice3A_638, %slice3A_637 : vector<1x2048xi1>, vector<1x2048xi32>
    %transpose3A = tpu.transpose %select_n3A_646, [1, 0] : vector<1x2048xi32> -> vector<2048x1xi32>
    %broadcast_in_dim3A = vector.shape_cast %transpose3A : vector<2048x1xi32> to vector<2048x1xi32>
    %broadcast_in_dim3A_647 = vector.broadcast %broadcast_in_dim3A : vector<2048x1xi32> to vector<2048x16xi32>
    %broadcast_in_dim3A_648 = vector.shape_cast %broadcast_in_dim3A_647 : vector<2048x16xi32> to vector<1x2048x16xi32>
    %swap3A = arith.constant 0 : index
    %swap3A_649 = arith.constant 0 : index
    %swap3A_650 = arith.constant 0 : index
    %swap3A_651 = vector.load %arg3[%swap3A, %swap3A_649, %swap3A_650] : memref<1x2048x16xi32, #tpu.memory_space<vmem>>, vector<1x2048x16xi32>
    tpu.vector_store %arg3[%swap3A, %swap3A_649, %swap3A_650], %broadcast_in_dim3A_648 {strides = array<i32>} : memref<1x2048x16xi32, #tpu.memory_space<vmem>>, vector<1x2048x16xi32>,
    return
  }
  func.func @transform_0(%arg0: i32) -> (i32, i32) {
    %c0_i32 = arith.constant 0 : i32
    %c0_i32_0 = arith.constant 0 : i32
    return %c0_i32, %arg0 : i32, i32
  }
  func.func @transform_1(%arg0: i32) -> (i32, i32) {
    %c0_i32 = arith.constant 0 : i32
    %c0_i32_0 = arith.constant 0 : i32
    return %arg0, %c0_i32 : i32, i32
  }
  func.func @transform_2(%arg0: i32) -> (i32, i32, i32) {
    %c0_i32 = arith.constant 0 : i32
    %c0_i32_0 = arith.constant 0 : i32
    %c0_i32_1 = arith.constant 0 : i32
    return %arg0, %c0_i32, %c0_i32_0 : i32, i32, i32
  }
}

</mosaic_0001>

<sc_bundles>
// kernel: kernel.5.cloned.1.call-start
scs
__scs_entry_jumppad:
0x0: {  	(pc) =	sbr.rel $0x88, $3  }
0x1: {  	(tag) =	ssettag $0x0;
	lr =	simm.s32 $0x1  }
0x2: {  	[smem:$0x3FA0] =	sst lr;
	_ =	strace $0xD0000000  }
0x3: {  	_ = 	snop  }
0x4: {  	_ = 	snop  }
0x5: {  	_ = 	snop  }
0x6: {  	_ = 	snop  }
0x7: {  	_ = 	snop  }
__scs_overlays_trampoline_lowered:
0x8: {  	[smem:$0x3FAF] =	sst s0  }
0x9: {  	[smem:$0x3FB0] =	sst s1  }
0xa: {  	[smem:$0x3FB1] =	sst s2  }
0xb: {  	[smem:$0x3FB2] =	sst s3  }
0xc: {  	[smem:$0x3FB3] =	sst s4  }
0xd: {  	[smem:$0x3FB4] =	sst s5  }
0xe: {  	[smem:$0x3FB5] =	sst s6  }
0xf: {  	[smem:$0x3FB6] =	sst s7  }
0x10: {  	[smem:$0x3FB7] =	sst s8  }
0x11: {  	[smem:$0x3FB8] =	sst s9;
	s0 =	simm.s32 @!p0 $0x0  }
0x12: {  	s1 =	sld [smem:$0x3F9E];
	s0 =	simm.s32 @p0 $0x1  }
0x13: {  	[smem:$0x3FB9] =	sst s0;
	s0 =	simm.s32 @!p1 $0x0  }
0x14: {  	s2 =	sld [smem:$0x3F9D];
	s0 =	simm.s32 @p1 $0x1  }
0x15: {  	[smem:$0x3FBA] =	sst s0;
	s0 =	simm.s32 @!p2 $0x0  }
0x16: {  	s3 =	sld [smem:$0x3FDB];
	s0 =	simm.s32 @p2 $0x1  }
0x17: {  	s4 =	simm.s32 $0x1BF5;
	[smem:$0x3FBC] =	sst s0  }
0x18: {  	s0 =	sld [smem:$0x3F9F];
	_ =	swait.ge [sflag:s4], $0x0  }
0x19: {  	s7 =	sld [smem:$0x3FA0]  }
0x1a: {  	s8 =	sadd.s32 $0xFFFFE003, lr  }
0x1b: {  	s9 =	sadd.s32 $0xFFFFFEF7, lr;
	s5 =	simm.s32 $0xFFFFFFFF;
	p2 =	slt.u32 s8, $0xFFFFF086  }
0x1c: {  	p1 =	slt.u32 s9, $0xF7A;
	s5 =	simm.s32 @!p2 $0x0  }
0x1d: {  	s5 =	simm.s32 @p1 $0x1;
	p0 =	seq.s32 s7, s2  }
0x1e: {  	s7 =	smul.u32 @!p0 $0xF7A, s2;
	p2 =	seq.s32 @!p0 s5, $0x0  }
0x1f: {  	s9 =	smul.u32 $0xF7A, s1;
	s8 =	simm.s32 @!p0 $0x1BF5;
	p2 =	por !p2, p0  }
0x20: {  	[sflag:s8] =	ssyncset.s32 @!p0 $0xFFFFF086;
	s6 =	sadd.s32 @!p0 s3, s7;
	s7 =	simm.s32 @!p0 $0x108  }
0x21: {  	s3 =	sadd.s32 s3, s9;
	s6 =	sadd.s32 @!p0 $0x88, s6;
	s7 =	simm.s32 @p2 $0x1082  }
0x22: {  	[simem:s7], [sflag:s8] =	dma.local @!p0 [hbm:s6], $0xF7A  }
0x23: {  	s9 =	sor.u32 $0xD0000000, s2;
	s6 =	simm.s32 $0x108;
	_ =	swait.ge @!p0 [sflag:s8], $0x0  }
0x24: {  	s3 =	sadd.s32 $0x88, s3;
	s6 =	simm.s32 @!p1 $0x1082;
	[sflag:s4] =	ssyncset.s32 $0xFFFFF086  }
0x25: {  	[simem:s6], [sflag:s4] =	dma.local [hbm:s3], $0xF7A  }
0x26: {  	[smem:$0x3FA0] =	sst s1;
	(tag) =	ssettag s2;
	_ =	strace s9  }
0x27: {  	s1 =	sld [smem:$0x3FB0]  }
0x28: {  	s2 =	sld [smem:$0x3FB1]  }
0x29: {  	s4 =	sld [smem:$0x3FB3]  }
0x2a: {  	p0 =	seq.s32 s5, $0x0;
	s5 =	sld [smem:$0x3FB4]  }
0x2b: {  	s6 =	sld [smem:$0x3FB5]  }
0x2c: {  	s7 =	sld [smem:$0x3FB6]  }
0x2d: {  	s3 =	simm.s32 $0x108;
	s8 =	sld [smem:$0x3FB7]  }
0x2e: {  	s3 =	simm.s32 @!p0 $0x1082;
	s9 =	sld [smem:$0x3FB8]  }
0x2f: {  	lr =	sadd.s32 s0, s3;
	s0 =	sld [smem:$0x3FAF]  }
0x30: {  	s3 =	sld [smem:$0x3FB2]  }
0x31: {  	[smem:$0x3FBB] =	sst s10  }
0x32: {  	s10 =	sld [smem:$0x3FB9];
	_ =	sdelay $0x3  }
0x33: {  	p0 =	seq.s32 s10, $0x1;
	s10 =	sld [smem:$0x3FBB];
	_ =	sdelay $0x3  }
0x34: {  	[smem:$0x3FBB] =	sst s10  }
0x35: {  	s10 =	sld [smem:$0x3FBA];
	_ =	sdelay $0x3  }
0x36: {  	p1 =	seq.s32 s10, $0x1;
	s10 =	sld [smem:$0x3FBB];
	_ =	sdelay $0x3  }
0x37: {  	[smem:$0x3FBB] =	sst s10  }
0x38: {  	s10 =	sld [smem:$0x3FBC]  }
0x39: {  	_ = 	snop;
	(pc) =	sbr.ind lr, $3  }
0x3a: {  	_ = 	snop  }
0x3b: {  	_ = 	snop  }
0x3c: {  	p2 =	seq.s32 s10, $0x1;
	s10 =	sld [smem:$0x3FBB]  }
0x3d: {  	_ =	shalt  }
0x3e: {  	_ =	shalt  }
0x3f: {  	_ =	shalt  }
0x40: {  	_ =	shalt  }
0x41: {  	_ =	shalt  }
0x42: {  	_ =	shalt  }
0x43: {  	_ =	shalt  }
0x44: {  	_ =	shalt  }
0x45: {  	_ =	shalt  }
0x46: {  	_ =	shalt  }
0x47: {  	_ =	shalt  }
0x48: {  	_ =	shalt  }
0x49: {  	_ =	shalt  }
0x4a: {  	_ =	shalt  }
0x4b: {  	_ =	shalt  }
0x4c: {  	_ =	shalt  }
0x4d: {  	_ =	shalt  }
0x4e: {  	_ =	shalt  }
0x4f: {  	_ =	shalt  }
0x50: {  	_ =	shalt  }
0x51: {  	_ =	shalt  }
0x52: {  	_ =	shalt  }
0x53: {  	_ =	shalt  }
0x54: {  	_ =	shalt  }
0x55: {  	_ =	shalt  }
0x56: {  	_ =	shalt  }
0x57: {  	_ =	shalt  }
0x58: {  	_ =	shalt  }
0x59: {  	_ =	shalt  }
0x5a: {  	_ =	shalt  }
0x5b: {  	_ =	shalt  }
0x5c: {  	_ =	shalt  }
0x5d: {  	_ =	shalt  }
0x5e: {  	_ =	shalt  }
0x5f: {  	_ =	shalt  }
0x60: {  	_ =	shalt  }
0x61: {  	_ =	shalt  }
0x62: {  	_ =	shalt  }
0x63: {  	_ =	shalt  }
0x64: {  	_ =	shalt  }
0x65: {  	_ =	shalt  }
0x66: {  	_ =	shalt  }
0x67: {  	_ =	shalt  }
0x68: {  	_ =	shalt  }
0x69: {  	_ =	shalt  }
0x6a: {  	_ =	shalt  }
0x6b: {  	_ =	shalt  }
0x6c: {  	_ =	shalt  }
0x6d: {  	_ =	shalt  }
0x6e: {  	_ =	shalt  }
0x6f: {  	_ =	shalt  }
0x70: {  	_ =	shalt  }
0x71: {  	_ =	shalt  }
0x72: {  	_ =	shalt  }
0x73: {  	_ =	shalt  }
0x74: {  	_ =	shalt  }
0x75: {  	_ =	shalt  }
0x76: {  	_ =	shalt  }
0x77: {  	_ =	shalt  }
0x78: {  	_ =	shalt  }
0x79: {  	_ =	shalt  }
0x7a: {  	_ =	shalt  }
0x7b: {  	_ =	shalt  }
0x7c: {  	_ =	shalt  }
0x7d: {  	_ =	shalt  }
0x7e: {  	_ =	shalt  }
0x7f: {  	_ =	shalt  }
0x80: {  	_ =	shalt  }
0x81: {  	_ =	shalt  }
0x82: {  	_ =	shalt  }
0x83: {  	_ =	shalt  }
0x84: {  	_ =	shalt  }
0x85: {  	_ =	shalt  }
0x86: {  	_ =	shalt  }
0x87: {  	_ =	shalt  }
.Lfunc_end0:
.L_simem_size_0:
called_computation_lowered:
.L_overlay_start_0:
0x88: {  	s2 =	sld [smem:$0x3FD9]  }
0x89: {  	s3 =	sld [smem:$0x3FFE];
	_ =	sdelay $0x1  }
0x8a: {  	s1 =	srdreg.scid  }
0x8b: {  	s0 =	sand.u32 $0x1, s1  }
0x8c: {  	s16 =	sshll.u32 s0, $0xA;
	s2 =	sadd.s32 s3, s2  }
0x8d: {  	s2 =	sadd.s32 s2, s16  }
0x8e: {  	[smem:$0x3FC7] =	sst s2  }
0x8f: {  	_ = 	snop  }
0x90: {  	(tm) =	ssettm $0x1  }
0x91: {  	s17 =	sld [smem:$0x3FFB];
	_ =	sdelay $0x3  }
0x92: {  	_ =	strace s17  }
0x93: {  	s2 =	sld [smem:$0x3FFC];
	_ =	sdelay $0x3  }
0x94: {  	_ =	strace s2  }
0x95: {  	s2 =	sld [smem:$0x3FFD];
	_ =	sdelay $0x3  }
0x96: {  	_ =	strace s2  }
0x97: {  	_ =	strace $0x8FFFFFFF  }
0x98: {  	s18 =	sld [smem:$0x3FDB];
	_ =	sdelay $0x1  }
0x99: {  	s19 =	simm.s32 $_scs_section_size  }
0x9a: {  	s4 =	simm.s32 $_size__tile_overlayer_lowered;
	s5 =	simm.s32 $_tile_overlayer_lowered  }
0x9b: {  	s22 =	simm.s32 $0x1BFF;
	s21 =	sshll.u32 s5, $0x1;
	s2 =	sadd.s32 s19, s18  }
0x9c: {  	s6 =	simm.s32 $0x0;
	s20 =	sshll.u32 s4, $0x1;
	s4 =	sadd.s32 s21, s2  }
0x9d: {  	[timem:s6], [sflag:s22] =	dma.local [hbm:s4], s20  }
0x9e: {  	_ =	swait.ge [sflag:s22], s20  }
0x9f: {  	s3 =	ssub.s32 $0x0, s20;
	[sflag:s22] =	ssyncset.done $0x0  }
0xa0: {  	[sflag:s22] =	ssyncadd.s32 s3;
	_ =	sdelay $0x1  }
0xa1: {  	s23 =	simm.s32 $0x1B8B  }
0xa2: {  	_ =	swait.ge [sflag:s23], $0x1  }
0xa3: {  	[sflag:s23] =	ssyncset.done $0x0  }
0xa4: {  	s25 =	simm.s32 $0x1B8E;
	s24 =	sld [smem:$0x3FFE];
	[sflag:s23] =	ssyncadd.s32 $0xFFFFFFFF  }
0xa5: {  	s26 =	simm.s32 $execute0_lowered;
	[smem:$0x3FD2] =	sst s25  }
0xa6: {  	s4 =	sshll.u32 s26, $0x1;
	_ =	strace $0x80000046;
	[dreg:$0x1] =	wrdreg $0xFFFFFFFF  }
0xa7: {  	s28 =	simm.s32 $_size_execute0_lowered;
	s2 =	sadd.s32 s2, s4;
	[dreg:$0x0] =	wrdreg $0x0  }
0xa8: {  	s4 =	sshll.u32 s28, $0x1;
	[dreg:$0x2] =	wrdreg s2  }
0xa9: {  	[dreg:$0x3] =	wrdreg s4  }
0xaa: {  	[dreg:$0x4] =	wrdreg $0xC0  }
0xab: {  	_ =	task [dreg:s6], $0x5FFFF  }
0xac: {  	[dreg:$0x1] =	wrdreg $0xFFFFFFFF  }
0xad: {  	[dreg:$0x0] =	wrdreg $0x60  }
0xae: {  	[dreg:$0x2] =	wrdreg s24  }
0xaf: {  	[dreg:$0x3] =	wrdreg $0x9  }
0xb0: {  	_ =	task.clear_ibuf [dreg:s6], $0x4FFFF;
	_ =	strace $0x90000046  }
0xb1: {  	s29 =	simm.s32 $0x9;
	_ =	strace $0x80000048  }
0xb2: {  	_ =	swait.ge [sflag:s29], $0x1  }
0xb3: {  	[sflag:s29] =	ssyncadd.s32 $0xFFFFFFFF  }
0xb4: {  	_ =	strace $0x90000048  }
0xb5: {  	_ =	sfence  }
0xb6: {  	s30 =	sld [smem:$0x0];
	_ =	sdelay $0x2  }
0xb7: {  	s31 =	sshll.u32 s1, $0xD;
	s1 =	sshrl.u32 s1, $0x2  }
0xb8: {  	s3 =	sand.u32 $0x4000, s31;
	s1 =	sadd.s32 s1, s30  }
0xb9: {  	s0 =	sor.u32 s3, s0;
	s1 =	sshll.u32 s1, $0x11  }
0xba: {  	s0 =	sor.u32 s1, s0  }
0xbb: {  	s0 =	sadd.s32 $0x8F2B, s0  }
0xbc: {  	[sflag:s0] =	ssyncadd.remote.s32 $0x1  }
0xbd: {  	_ =	sfence.sel $0xFFFF  }
0xbe: {  	[dreg:$0x0] =	wrdreg $0xFFFFFFFF;
	(pc) =	sbr.abs _section_cstart, $3  }
0xbf: {  	[dreg:$0x1] =	wrdreg $0xFFFFFFFF  }
0xc0: {  	_ =	task.clear_ibuf [dreg:s6], $0x2FFFF;
	_ =	strace $0x9FFFFFFF  }
0xc1: {  	(tm) =	ssettm $0x7FFFFFFF  }
tec
execute0_lowered:
.L_overlay_start_1:
0x0: {  	(tag) =	ssettag $0x1  }
0x1: {  	s3 =	rddreg [dreg:$0x0]  }
0x2: {  	s0 =	rddreg [dreg:$0x1];
	s4 =	srdreg.scid  }
0x3: {  	s1 =	stileid.u32;
	s2 =	simm.s32 $0x0;
	s8 =	simm.s32 $0x1  }
0x4: {  	s9 =	simm.s32 $0x2;
	s10 =	simm.s32 $0x10000;
	s11 =	simm.s32 $0x3  }
0x5: {  	s4 =	sand.u32 $0x1, s4;
	s5 =	sshll.u32 s1, $0x1;
	[smem:$0x7FF] =	sst s2  }
0x6: {  	s12 =	simm.s32 $0x0;
	s5 =	sor.u32 s4, s5;
	_ =	strace $0x80000047  }
0x7: {  	s4 =	ssub.s32 $0x2, s4;
	s6 =	sshll.u32 s5, $0xC;
	s5 =	sshll.u32 s5, $0xA  }
0x8: {  	s7 =	sshrl.u32 s4, $0x1;
	s6 =	sadd.s32 s6, s3;
	s5 =	sadd.s32 s5, s3  }
0x9: {  	v0 =	vimm.f32 $0.0e+00;
	v1 =	vlaneseq.u32;
	s7 =	ssub.s32 s4, s7;
	s3 =	sadd.s32 $0x20E00, s6;
	s4 =	sadd.s32 $0xE00, s6  }
0xa: {  	v2 =	vor.u32 $0x10, v1;
	v3 =	vor.u32 $0x20, v1;
	v4 =	vor.u32 $0x30, v1;
	s5 =	sadd.s32 $0x40E00, s5;
	s6 =	smax.u32 s7, $0x1;
	s7 =	simm.s32 $0x8000  }
.LBB2_1:
0xb: {  	[tilespmem:s2], [sflag:$0x1] =	stream.linear.gather [hbm4b:s3+s2], $0x8000, $0x38;
	[tilespmem:$0x12000] =	vst v63  }
0xc: {  	s14 =	simm.s32 $0x200;
	s13 =	simm.s32 $0x0  }
0xd: {  	[tilespmem:s7], [sflag:$0x2] =	stream.linear.gather [hbm4b:s4+s2], $0x8000, $0x38;
	[tilespmem:$0x12000] =	vst v63  }
.LBB2_2:
0xe: {  	p0 =	sne.s32 s14, $0x7E00;
	[tilespmem:s13+$0x10030] =	vst v0;
	s15 =	smov.u32 s14;
	s14 =	sadd.s32 $0x200, s14  }
.Ltmp0:
0xf: {  	[tilespmem:s13+$0x10020] =	vst v0;
	(pc) =	sbr.rel @p0 .LBB2_2-.Ltmp0, $3  }
0x10: {  	[tilespmem:s13+$0x10000] =	vst v0  }
0x11: {  	[tilespmem:s13+$0x10010] =	vst v0;
	_ =	sdelay $0x1  }
0x12: {  	s13 =	sshra.s32 s15, $0x2  }
0x13: {  	[tilespmem:s13+$0x10030] =	vst v0  }
0x14: {  	[tilespmem:s13+$0x10020] =	vst v0  }
0x15: {  	[tilespmem:s13+$0x10000] =	vst v0  }
0x16: {  	[tilespmem:s13+$0x10010] =	vst v0  }
0x17: {  	_ =	swait.ge [sflag:s8], $0x8000  }
0x18: {  	[sflag:s8] =	ssyncset.done $0x0  }
0x19: {  	[sflag:s8] =	ssyncadd.s32 $0xFFFF8000  }
0x1a: {  	_ =	swait.ge [sflag:s9], $0x8000  }
0x1b: {  	[sflag:s9] =	ssyncset.done $0x0  }
0x1c: {  	s13 =	simm.s32 $0x0;
	[sflag:s9] =	ssyncadd.s32 $0xFFFF8000  }
.LBB2_4:
0x1d: {  	s14 =	sshra.s32 s13, $0x2  }
0x1e: {  	v5 =	vld [tilespmem:s14+$0x0];
	_ =	sdelay $0x4  }
0x1f: {  	v5 =	vshll.u32 v5, $0x7  }
0x20: {  	v6 =	vld [tilespmem:s14+$0x8000];
	v7 =	vor.u32 v1, v5;
	_ =	sdelay $0x4  }
0x21: {  	[tilespmem:v7+s10+$0x0] =	vst.idx.add.f32.msk $0xffff, v6  }
0x22: {  	v7 =	vor.u32 v2, v5;
	v6 =	vld [tilespmem:s14+$0x8010];
	_ =	sdelay $0x4  }
0x23: {  	[tilespmem:v7+s10+$0x0] =	vst.idx.add.f32.msk $0xffff, v6  }
0x24: {  	v7 =	vor.u32 v3, v5;
	v6 =	vld [tilespmem:s14+$0x8020];
	_ =	sdelay $0x4  }
0x25: {  	[tilespmem:v7+s10+$0x0] =	vst.idx.add.f32.msk $0xffff, v6  }
0x26: {  	v5 =	vor.u32 v4, v5;
	v6 =	vld [tilespmem:s14+$0x8030];
	_ =	sdelay $0x4  }
0x27: {  	[tilespmem:v5+s10+$0x0] =	vst.idx.add.f32.msk $0xffff, v6  }
0x28: {  	v5 =	vld [tilespmem:s14+$0x80];
	_ =	sdelay $0x4  }
0x29: {  	v5 =	vshll.u32 v5, $0x7  }
0x2a: {  	v6 =	vld [tilespmem:s14+$0x8080];
	v7 =	vor.u32 v1, v5;
	_ =	sdelay $0x4  }
0x2b: {  	[tilespmem:v7+s10+$0x0] =	vst.idx.add.f32.msk $0xffff, v6  }
0x2c: {  	v7 =	vor.u32 v2, v5;
	v6 =	vld [tilespmem:s14+$0x8090];
	_ =	sdelay $0x4  }
0x2d: {  	[tilespmem:v7+s10+$0x0] =	vst.idx.add.f32.msk $0xffff, v6  }
0x2e: {  	v7 =	vor.u32 v3, v5;
	v6 =	vld [tilespmem:s14+$0x80A0];
	_ =	sdelay $0x4  }
0x2f: {  	[tilespmem:v7+s10+$0x0] =	vst.idx.add.f32.msk $0xffff, v6  }
0x30: {  	v5 =	vor.u32 v4, v5;
	v6 =	vld [tilespmem:s14+$0x80B0];
	_ =	sdelay $0x4  }
0x31: {  	[tilespmem:v5+s10+$0x0] =	vst.idx.add.f32.msk $0xffff, v6  }
0x32: {  	v5 =	vld [tilespmem:s14+$0x100];
	_ =	sdelay $0x4  }
0x33: {  	v5 =	vshll.u32 v5, $0x7  }
0x34: {  	v6 =	vld [tilespmem:s14+$0x8100];
	v7 =	vor.u32 v1, v5;
	_ =	sdelay $0x4  }
0x35: {  	[tilespmem:v7+s10+$0x0] =	vst.idx.add.f32.msk $0xffff, v6  }
0x36: {  	v7 =	vor.u32 v2, v5;
	v6 =	vld [tilespmem:s14+$0x8110];
	_ =	sdelay $0x4  }
0x37: {  	[tilespmem:v7+s10+$0x0] =	vst.idx.add.f32.msk $0xffff, v6  }
0x38: {  	v7 =	vor.u32 v3, v5;
	v6 =	vld [tilespmem:s14+$0x8120];
	_ =	sdelay $0x4  }
0x39: {  	[tilespmem:v7+s10+$0x0] =	vst.idx.add.f32.msk $0xffff, v6  }
0x3a: {  	v5 =	vor.u32 v4, v5;
	v6 =	vld [tilespmem:s14+$0x8130];
	_ =	sdelay $0x4  }
0x3b: {  	[tilespmem:v5+s10+$0x0] =	vst.idx.add.f32.msk $0xffff, v6  }
0x3c: {  	v5 =	vld [tilespmem:s14+$0x180];
	_ =	sdelay $0x4  }
0x3d: {  	v5 =	vshll.u32 v5, $0x7  }
0x3e: {  	v6 =	vld [tilespmem:s14+$0x8180];
	v7 =	vor.u32 v1, v5;
	_ =	sdelay $0x4  }
0x3f: {  	[tilespmem:v7+s10+$0x0] =	vst.idx.add.f32.msk $0xffff, v6  }
0x40: {  	v7 =	vor.u32 v2, v5;
	v6 =	vld [tilespmem:s14+$0x8190];
	_ =	sdelay $0x4  }
0x41: {  	[tilespmem:v7+s10+$0x0] =	vst.idx.add.f32.msk $0xffff, v6  }
0x42: {  	v7 =	vor.u32 v3, v5;
	v6 =	vld [tilespmem:s14+$0x81A0];
	_ =	sdelay $0x4  }
0x43: {  	[tilespmem:v7+s10+$0x0] =	vst.idx.add.f32.msk $0xffff, v6  }
0x44: {  	v5 =	vor.u32 v4, v5;
	v6 =	vld [tilespmem:s14+$0x81B0];
	_ =	sdelay $0x4  }
0x45: {  	[tilespmem:v5+s10+$0x0] =	vst.idx.add.f32.msk $0xffff, v6  }
0x46: {  	v5 =	vld [tilespmem:s14+$0x200];
	_ =	sdelay $0x4  }
0x47: {  	v5 =	vshll.u32 v5, $0x7  }
0x48: {  	v6 =	vld [tilespmem:s14+$0x8200];
	v7 =	vor.u32 v1, v5;
	_ =	sdelay $0x4  }
0x49: {  	[tilespmem:v7+s10+$0x0] =	vst.idx.add.f32.msk $0xffff, v6  }
0x4a: {  	v7 =	vor.u32 v2, v5;
	v6 =	vld [tilespmem:s14+$0x8210];
	_ =	sdelay $0x4  }
0x4b: {  	[tilespmem:v7+s10+$0x0] =	vst.idx.add.f32.msk $0xffff, v6  }
0x4c: {  	v7 =	vor.u32 v3, v5;
	v6 =	vld [tilespmem:s14+$0x8220];
	_ =	sdelay $0x4  }
0x4d: {  	[tilespmem:v7+s10+$0x0] =	vst.idx.add.f32.msk $0xffff, v6  }
0x4e: {  	v5 =	vor.u32 v4, v5;
	v6 =	vld [tilespmem:s14+$0x8230];
	_ =	sdelay $0x4  }
0x4f: {  	[tilespmem:v5+s10+$0x0] =	vst.idx.add.f32.msk $0xffff, v6  }
0x50: {  	v5 =	vld [tilespmem:s14+$0x280];
	_ =	sdelay $0x4  }
0x51: {  	v5 =	vshll.u32 v5, $0x7  }
0x52: {  	v6 =	vld [tilespmem:s14+$0x8280];
	v7 =	vor.u32 v1, v5;
	_ =	sdelay $0x4  }
0x53: {  	[tilespmem:v7+s10+$0x0] =	vst.idx.add.f32.msk $0xffff, v6  }
0x54: {  	v7 =	vor.u32 v2, v5;
	v6 =	vld [tilespmem:s14+$0x8290];
	_ =	sdelay $0x4  }
0x55: {  	[tilespmem:v7+s10+$0x0] =	vst.idx.add.f32.msk $0xffff, v6  }
0x56: {  	v7 =	vor.u32 v3, v5;
	v6 =	vld [tilespmem:s14+$0x82A0];
	_ =	sdelay $0x4  }
0x57: {  	[tilespmem:v7+s10+$0x0] =	vst.idx.add.f32.msk $0xffff, v6  }
0x58: {  	v5 =	vor.u32 v4, v5;
	v6 =	vld [tilespmem:s14+$0x82B0];
	_ =	sdelay $0x4  }
0x59: {  	[tilespmem:v5+s10+$0x0] =	vst.idx.add.f32.msk $0xffff, v6  }
0x5a: {  	v5 =	vld [tilespmem:s14+$0x300];
	_ =	sdelay $0x4  }
0x5b: {  	v5 =	vshll.u32 v5, $0x7  }
0x5c: {  	v6 =	vld [tilespmem:s14+$0x8300];
	v7 =	vor.u32 v1, v5;
	_ =	sdelay $0x4  }
0x5d: {  	[tilespmem:v7+s10+$0x0] =	vst.idx.add.f32.msk $0xffff, v6  }
0x5e: {  	v7 =	vor.u32 v2, v5;
	v6 =	vld [tilespmem:s14+$0x8310];
	_ =	sdelay $0x4  }
0x5f: {  	[tilespmem:v7+s10+$0x0] =	vst.idx.add.f32.msk $0xffff, v6  }
0x60: {  	v7 =	vor.u32 v3, v5;
	v6 =	vld [tilespmem:s14+$0x8320];
	_ =	sdelay $0x4  }
0x61: {  	[tilespmem:v7+s10+$0x0] =	vst.idx.add.f32.msk $0xffff, v6  }
0x62: {  	v5 =	vor.u32 v4, v5;
	v6 =	vld [tilespmem:s14+$0x8330];
	_ =	sdelay $0x4  }
0x63: {  	[tilespmem:v5+s10+$0x0] =	vst.idx.add.f32.msk $0xffff, v6  }
0x64: {  	v5 =	vld [tilespmem:s14+$0x380];
	_ =	sdelay $0x4  }
0x65: {  	v5 =	vshll.u32 v5, $0x7  }
0x66: {  	v6 =	vld [tilespmem:s14+$0x8380];
	v7 =	vor.u32 v1, v5;
	_ =	sdelay $0x4  }
0x67: {  	[tilespmem:v7+s10+$0x0] =	vst.idx.add.f32.msk $0xffff, v6  }
0x68: {  	v7 =	vor.u32 v2, v5;
	v6 =	vld [tilespmem:s14+$0x8390];
	_ =	sdelay $0x4  }
0x69: {  	[tilespmem:v7+s10+$0x0] =	vst.idx.add.f32.msk $0xffff, v6  }
0x6a: {  	v7 =	vor.u32 v3, v5;
	v6 =	vld [tilespmem:s14+$0x83A0];
	_ =	sdelay $0x4  }
0x6b: {  	[tilespmem:v7+s10+$0x0] =	vst.idx.add.f32.msk $0xffff, v6  }
0x6c: {  	p0 =	sne.s32 s13, $0x1F000;
	v5 =	vor.u32 v4, v5;
	v6 =	vld [tilespmem:s14+$0x83B0]  }
.Ltmp1:
0x6d: {  	_ = 	snop;
	(pc) =	sbr.rel @p0 .LBB2_4-.Ltmp1, $2  }
0x6e: {  	_ =	sdelay $0x2  }
0x6f: {  	s13 =	sadd.s32 $0x1000, s13;
	[tilespmem:v5+s10+$0x0] =	vst.idx.add.f32.msk $0xffff, v6  }
0x70: {  	s12 =	sadd.s32 $0x1, s12  }
0x71: {  	p0 =	sne.s32 s12, s6  }
.Ltmp2:
0x72: {  	_ = 	snop;
	(pc) =	sbr.rel @p0 .LBB2_1-.Ltmp2, $4  }
0x73: {  	[hbm4b:s5+s2] =	stream.linear.scatter [tilespmem:s10], [sflag:$0x3], $0x2000, $0x38;
	[tilespmem:$0x12000] =	vst v63  }
0x74: {  	_ =	swait.ge [sflag:s11], $0x2000  }
0x75: {  	[sflag:s11] =	ssyncset.done $0x0  }
0x76: {  	[sflag:s11] =	ssyncadd.s32 $0xFFFFE000  }
0x77: {  	_ =	sfence.sel $0x180000  }
0x78: {  	[bflag:$0x0] =	sbarrier.arrive $0xFFFF  }
0x79: {  	p0 =	sne.s32 s1, $0x0;
	_ =	strace $0x90000047  }
0x7a: {  	s0 =	sadd.s32 @!p0 $0x100000, s0;
	[bflag:$0x2] =	sbarrier.arrive $0xFFFF  }
0x7b: {  	[sflag:s0] =	ssyncadd.tile.s32 @!p0 $0x1;
	_ =	shalt  }
.Lfunc_end2:
_tile_overlayer_lowered:
.L_overlay_start_2:
0x7c: {  	(tag) =	ssettag $0x2  }
0x7d: {  	s0 =	rddreg [dreg:$0x0];
	s2 =	stileid.u32  }
0x7e: {  	s1 =	rddreg [dreg:$0x1];
	p0 =	sne.s32 s2, $0x0  }
0x7f: {  	s3 =	rddreg [dreg:$0x2];
	[bflag:$0x3] =	sbarrier.arrive $0xFFFF;
	s2 =	simm.s32 @!p0 $0x1C03  }
0x80: {  	[timem:s3], [sflag:s2] =	dma.local @!p0 [hbm:s0], s1  }
0x81: {  	s0 =	simm.s32 @!p0 $0x3  }
0x82: {  	_ =	swait.ge @!p0 [sflag:s0], s1  }
0x83: {  	s1 =	ssub.s32 @!p0 $0x0, s1;
	[sflag:s0] =	ssyncset.done @!p0 $0x0  }
0x84: {  	[sflag:s0] =	ssyncadd.s32 @!p0 s1  }
0x85: {  	[bflag:$0x3] =	sbarrier.arrive $0xFFFF  }
0x86: {  	_ =	shalt  }

</sc_bundles>
